<compile_context>
chip_gen: v7x
topology: tpu7x:2x2x1
jax: 0.10.2.dev20260603
libtpu: 0.0.44.dev20260713+nightly
codegen_flags: <defaults>
</compile_context>

<pallas_src>
import functools

import jax
import jax.numpy as jnp
from jax.experimental import pallas as pl

N_NODES = 10000
N_PAD = 10240
DIM = 256
BM = 256


def _mm_body(x0_ref, y_ref, a_ref, out_ref, *, scale):
    acc = jnp.dot(a_ref[...], y_ref[...], preferred_element_type=jnp.float32)
    out_ref[...] = (x0_ref[...] + acc) * scale


def _propagate(a, x0, y, scale):
    grid = (N_PAD // BM,)
    return pl.pallas_call(
        functools.partial(_mm_body, scale=scale),
        grid=grid,
        in_specs=[
            pl.BlockSpec((BM, DIM), lambda i: (i, 0)),
            pl.BlockSpec((N_PAD, DIM), lambda i: (0, 0)),
            pl.BlockSpec((BM, N_PAD), lambda i: (i, 0)),
        ],
        out_specs=pl.BlockSpec((BM, DIM), lambda i: (i, 0)),
        out_shape=jax.ShapeDtypeStruct((N_PAD, DIM), jnp.float32),
    )(x0, y, a)


def kernel(edge_index, user_emb, item_emb):
    n_users = user_emb.shape[0]
    row = edge_index[0].astype(jnp.int32)
    col = edge_index[1].astype(jnp.int32)

    deg = jnp.zeros((N_PAD,), jnp.float32).at[col].add(1.0)
    dis = jnp.where(deg > 0, jax.lax.rsqrt(deg), 0.0)
    norm = dis[row] * dis[col]

    a = jnp.zeros((N_PAD, N_PAD), jnp.float32).at[col, row].add(norm)

    x0 = jnp.concatenate(
        [user_emb, item_emb,
         jnp.zeros((N_PAD - N_NODES, DIM), jnp.float32)], axis=0)

    y = _propagate(a, x0, x0, 1.0)
    y = _propagate(a, x0, y, 1.0)
    final = _propagate(a, x0, y, 0.25)

    return (final[:n_users], final[n_users:N_NODES])

# --- scband reference (transcript-rebuilt; emitter-appended) ---
"""Pipeline reference for scband-light-gcn-16544214024405 (READ-ONLY COPY).

The authoritative reference and input builder live on the scoring server;
editing this copy changes nothing except your own understanding.
"""

import jax, jax.numpy as jnp
import numpy as np

N_USERS = 5000
N_ITEMS = 5000
DIM = 256
N_LAYERS = 3
E = 320000


def setup_inputs(seed: int = 0) -> dict:
    key = jax.random.key(seed)
    k1, k2, k3 = jax.random.split(key, 3)
    edge_index = jax.random.randint(k1, (2, E), 0, N_USERS + N_ITEMS)
    # xavier-uniform-like init for embedding tables (learned parameters)
    limit = float(np.sqrt(6.0 / (N_USERS + DIM)))
    user_emb = jax.random.uniform(k2, (N_USERS, DIM), minval=-limit, maxval=limit, dtype=jnp.float32)
    item_emb = jax.random.uniform(k3, (N_ITEMS, DIM), minval=-limit, maxval=limit, dtype=jnp.float32)
    return {"edge_index": edge_index, "user_emb": user_emb, "item_emb": item_emb}


def reference(edge_index, user_emb, item_emb):
    n_users = user_emb.shape[0]
    n_nodes = user_emb.shape[0] + item_emb.shape[0]
    all_emb = jnp.concatenate([user_emb, item_emb], axis=0)
    row = edge_index[0]
    col = edge_index[1]
    # symmetric degree normalization (recomputed identically each layer in torch)
    deg = jnp.zeros((n_nodes,), dtype=all_emb.dtype).at[col].add(1.0)
    deg_inv_sqrt = jnp.where(deg > 0, deg ** -0.5, 0.0)
    norm = deg_inv_sqrt[row] * deg_inv_sqrt[col]
    embs = [all_emb]
    x = all_emb
    for _ in range(N_LAYERS):
        # message: norm * x_j  (x_j = x[row], source nodes)
        msg = norm[:, None] * jnp.take(x, row, axis=0)
        # aggregate: scatter-add into target nodes (col)
        x = jax.ops.segment_sum(msg, col, num_segments=n_nodes)
        # dropout p=0.0 -> identity
        embs.append(x)
    final_emb = jnp.stack(embs, axis=0).mean(axis=0)
    user_embeddings = final_emb[:n_users]
    item_embeddings = final_emb[n_users:]
    return (user_embeddings, item_embeddings)

if __name__ == "__main__":
    import jax
    _d = setup_inputs()
    print(jax.jit(kernel)(*tuple(_d.values())))

</pallas_src>

<mosaic_0001>
module attributes {stable_mosaic.version = 14 : i64} {
  func.func @_mm_body(%arg0: i32, %arg1: memref<256x256xf32, #tpu.memory_space<vmem>>, %arg2: memref<10240x256xf32, #tpu.memory_space<vmem>>, %arg3: memref<256x10240xf32, #tpu.memory_space<vmem>>, %arg4: memref<256x256xf32, #tpu.memory_space<vmem>>) attributes {dimension_semantics = [#tpu.dimension_semantics<arbitrary>], iteration_bounds = array<i64: 40>, scalar_prefetch = 0 : i64, scratch_operands = 0 : i64, tpu.core_type = #tpu.core_type<tc>, window_params = [{transform_indices = @transform_0, window_bounds = array<i64: 256, 256>}, {pipeline_mode = #tpu.pipeline_mode<synchronous>, transform_indices = @transform_1, window_bounds = array<i64: 10240, 256>}, {transform_indices = @transform_2, window_bounds = array<i64: 256, 10240>}, {transform_indices = @transform_3, window_bounds = array<i64: 256, 256>}]} {
    %get3A = arith.constant 0 : index
    %get3A_0 = arith.constant 0 : index
    %get3A_1 = vector.load %arg3[%get3A, %get3A_0] : memref<256x10240xf32, #tpu.memory_space<vmem>>, vector<256x10240xf32>
    %get3A_2 = arith.constant 0 : index
    %get3A_3 = arith.constant 0 : index
    %get3A_4 = vector.load %arg2[%get3A_2, %get3A_3] : memref<10240x256xf32, #tpu.memory_space<vmem>>, vector<10240x256xf32>
    %dot_general3A = arith.constant dense<0.000000e+00> : vector<256x256xf32>
    %dot_general3A_5 = tpu.matmul %get3A_1, %get3A_4, %dot_general3A {dimension_numbers = #tpu.dot_dimension_numbers<[1], [0], [0], [1], [0, 0, 1, 1], [], []>, transpose_lhs_hint = false} : vector<256x10240xf32>, vector<10240x256xf32>, vector<256x256xf32> -> vector<256x256xf32>
    %get3A_6 = arith.constant 0 : index
    %get3A_7 = arith.constant 0 : index
    %get3A_8 = vector.load %arg1[%get3A_6, %get3A_7] : memref<256x256xf32, #tpu.memory_space<vmem>>, vector<256x256xf32>
    %add3A = arith.addf %get3A_8, %dot_general3A_5 : vector<256x256xf32>
    %mul3A = arith.constant 1.000000e+00 : f32
    %mul3A_9 = vector.broadcast %mul3A : f32 to vector<256x256xf32>
    %mul3A_10 = arith.mulf %add3A, %mul3A_9 : vector<256x256xf32>
    %swap3A = arith.constant 0 : index
    %swap3A_11 = arith.constant 0 : index
    %swap3A_12 = vector.load %arg4[%swap3A, %swap3A_11] : memref<256x256xf32, #tpu.memory_space<vmem>>, vector<256x256xf32>
    tpu.vector_store %arg4[%swap3A, %swap3A_11], %mul3A_10 {strides = array<i32>} : memref<256x256xf32, #tpu.memory_space<vmem>>, vector<256x256xf32>,
    return
  }
  func.func @transform_0(%arg0: i32) -> (i32, i32) {
    %c0_i32 = arith.constant 0 : i32
    %c0_i32_0 = arith.constant 0 : i32
    return %arg0, %c0_i32 : i32, i32
  }
  func.func @transform_1(%arg0: i32) -> (i32, i32) {
    %c0_i32 = arith.constant 0 : i32
    %c0_i32_0 = arith.constant 0 : i32
    %c0_i32_1 = arith.constant 0 : i32
    return %c0_i32, %c0_i32_0 : i32, i32
  }
  func.func @transform_2(%arg0: i32) -> (i32, i32) {
    %c0_i32 = arith.constant 0 : i32
    %c0_i32_0 = arith.constant 0 : i32
    return %arg0, %c0_i32 : i32, i32
  }
  func.func @transform_3(%arg0: i32) -> (i32, i32) {
    %c0_i32 = arith.constant 0 : i32
    %c0_i32_0 = arith.constant 0 : i32
    return %arg0, %c0_i32 : i32, i32
  }
}

module attributes {stable_mosaic.version = 14 : i64} {
  func.func @_mm_body(%arg0: i32, %arg1: memref<256x256xf32, #tpu.memory_space<vmem>>, %arg2: memref<10240x256xf32, #tpu.memory_space<vmem>>, %arg3: memref<256x10240xf32, #tpu.memory_space<vmem>>, %arg4: memref<256x256xf32, #tpu.memory_space<vmem>>) attributes {dimension_semantics = [#tpu.dimension_semantics<arbitrary>], iteration_bounds = array<i64: 40>, scalar_prefetch = 0 : i64, scratch_operands = 0 : i64, tpu.core_type = #tpu.core_type<tc>, window_params = [{transform_indices = @transform_0, window_bounds = array<i64: 256, 256>}, {pipeline_mode = #tpu.pipeline_mode<synchronous>, transform_indices = @transform_1, window_bounds = array<i64: 10240, 256>}, {transform_indices = @transform_2, window_bounds = array<i64: 256, 10240>}, {transform_indices = @transform_3, window_bounds = array<i64: 256, 256>}]} {
    %get3A = arith.constant 0 : index
    %get3A_0 = arith.constant 0 : index
    %get3A_1 = vector.load %arg3[%get3A, %get3A_0] : memref<256x10240xf32, #tpu.memory_space<vmem>>, vector<256x10240xf32>
    %get3A_2 = arith.constant 0 : index
    %get3A_3 = arith.constant 0 : index
    %get3A_4 = vector.load %arg2[%get3A_2, %get3A_3] : memref<10240x256xf32, #tpu.memory_space<vmem>>, vector<10240x256xf32>
    %dot_general3A = arith.constant dense<0.000000e+00> : vector<256x256xf32>
    %dot_general3A_5 = tpu.matmul %get3A_1, %get3A_4, %dot_general3A {dimension_numbers = #tpu.dot_dimension_numbers<[1], [0], [0], [1], [0, 0, 1, 1], [], []>, transpose_lhs_hint = false} : vector<256x10240xf32>, vector<10240x256xf32>, vector<256x256xf32> -> vector<256x256xf32>
    %get3A_6 = arith.constant 0 : index
    %get3A_7 = arith.constant 0 : index
    %get3A_8 = vector.load %arg1[%get3A_6, %get3A_7] : memref<256x256xf32, #tpu.memory_space<vmem>>, vector<256x256xf32>
    %add3A = arith.addf %get3A_8, %dot_general3A_5 : vector<256x256xf32>
    %mul3A = arith.constant 1.000000e+00 : f32
    %mul3A_9 = vector.broadcast %mul3A : f32 to vector<256x256xf32>
    %mul3A_10 = arith.mulf %add3A, %mul3A_9 : vector<256x256xf32>
    %swap3A = arith.constant 0 : index
    %swap3A_11 = arith.constant 0 : index
    %swap3A_12 = vector.load %arg4[%swap3A, %swap3A_11] : memref<256x256xf32, #tpu.memory_space<vmem>>, vector<256x256xf32>
    tpu.vector_store %arg4[%swap3A, %swap3A_11], %mul3A_10 {strides = array<i32>} : memref<256x256xf32, #tpu.memory_space<vmem>>, vector<256x256xf32>,
    return
  }
  func.func @transform_0(%arg0: i32) -> (i32, i32) {
    %c0_i32 = arith.constant 0 : i32
    %c0_i32_0 = arith.constant 0 : i32
    return %arg0, %c0_i32 : i32, i32
  }
  func.func @transform_1(%arg0: i32) -> (i32, i32) {
    %c0_i32 = arith.constant 0 : i32
    %c0_i32_0 = arith.constant 0 : i32
    %c0_i32_1 = arith.constant 0 : i32
    return %c0_i32, %c0_i32_0 : i32, i32
  }
  func.func @transform_2(%arg0: i32) -> (i32, i32) {
    %c0_i32 = arith.constant 0 : i32
    %c0_i32_0 = arith.constant 0 : i32
    return %arg0, %c0_i32 : i32, i32
  }
  func.func @transform_3(%arg0: i32) -> (i32, i32) {
    %c0_i32 = arith.constant 0 : i32
    %c0_i32_0 = arith.constant 0 : i32
    return %arg0, %c0_i32 : i32, i32
  }
}

module attributes {stable_mosaic.version = 14 : i64} {
  func.func @_mm_body(%arg0: i32, %arg1: memref<256x256xf32, #tpu.memory_space<vmem>>, %arg2: memref<10240x256xf32, #tpu.memory_space<vmem>>, %arg3: memref<256x10240xf32, #tpu.memory_space<vmem>>, %arg4: memref<256x256xf32, #tpu.memory_space<vmem>>) attributes {dimension_semantics = [#tpu.dimension_semantics<arbitrary>], iteration_bounds = array<i64: 40>, scalar_prefetch = 0 : i64, scratch_operands = 0 : i64, tpu.core_type = #tpu.core_type<tc>, window_params = [{transform_indices = @transform_0, window_bounds = array<i64: 256, 256>}, {pipeline_mode = #tpu.pipeline_mode<synchronous>, transform_indices = @transform_1, window_bounds = array<i64: 10240, 256>}, {transform_indices = @transform_2, window_bounds = array<i64: 256, 10240>}, {transform_indices = @transform_3, window_bounds = array<i64: 256, 256>}]} {
    %get3A = arith.constant 0 : index
    %get3A_0 = arith.constant 0 : index
    %get3A_1 = vector.load %arg3[%get3A, %get3A_0] : memref<256x10240xf32, #tpu.memory_space<vmem>>, vector<256x10240xf32>
    %get3A_2 = arith.constant 0 : index
    %get3A_3 = arith.constant 0 : index
    %get3A_4 = vector.load %arg2[%get3A_2, %get3A_3] : memref<10240x256xf32, #tpu.memory_space<vmem>>, vector<10240x256xf32>
    %dot_general3A = arith.constant dense<0.000000e+00> : vector<256x256xf32>
    %dot_general3A_5 = tpu.matmul %get3A_1, %get3A_4, %dot_general3A {dimension_numbers = #tpu.dot_dimension_numbers<[1], [0], [0], [1], [0, 0, 1, 1], [], []>, transpose_lhs_hint = false} : vector<256x10240xf32>, vector<10240x256xf32>, vector<256x256xf32> -> vector<256x256xf32>
    %get3A_6 = arith.constant 0 : index
    %get3A_7 = arith.constant 0 : index
    %get3A_8 = vector.load %arg1[%get3A_6, %get3A_7] : memref<256x256xf32, #tpu.memory_space<vmem>>, vector<256x256xf32>
    %add3A = arith.addf %get3A_8, %dot_general3A_5 : vector<256x256xf32>
    %mul3A = arith.constant 2.500000e-01 : f32
    %mul3A_9 = vector.broadcast %mul3A : f32 to vector<256x256xf32>
    %mul3A_10 = arith.mulf %add3A, %mul3A_9 : vector<256x256xf32>
    %swap3A = arith.constant 0 : index
    %swap3A_11 = arith.constant 0 : index
    %swap3A_12 = vector.load %arg4[%swap3A, %swap3A_11] : memref<256x256xf32, #tpu.memory_space<vmem>>, vector<256x256xf32>
    tpu.vector_store %arg4[%swap3A, %swap3A_11], %mul3A_10 {strides = array<i32>} : memref<256x256xf32, #tpu.memory_space<vmem>>, vector<256x256xf32>,
    return
  }
  func.func @transform_0(%arg0: i32) -> (i32, i32) {
    %c0_i32 = arith.constant 0 : i32
    %c0_i32_0 = arith.constant 0 : i32
    return %arg0, %c0_i32 : i32, i32
  }
  func.func @transform_1(%arg0: i32) -> (i32, i32) {
    %c0_i32 = arith.constant 0 : i32
    %c0_i32_0 = arith.constant 0 : i32
    %c0_i32_1 = arith.constant 0 : i32
    return %c0_i32, %c0_i32_0 : i32, i32
  }
  func.func @transform_2(%arg0: i32) -> (i32, i32) {
    %c0_i32 = arith.constant 0 : i32
    %c0_i32_0 = arith.constant 0 : i32
    return %arg0, %c0_i32 : i32, i32
  }
  func.func @transform_3(%arg0: i32) -> (i32, i32) {
    %c0_i32 = arith.constant 0 : i32
    %c0_i32_0 = arith.constant 0 : i32
    return %arg0, %c0_i32 : i32, i32
  }
}

</mosaic_0001>

<sc_bundles>
// kernel: scatter_offload_async_start.1
scs
__scs_entry_jumppad:
0x0: {  	(pc) =	sbr.rel $0x88, $3  }
0x1: {  	(tag) =	ssettag $0x0;
	lr =	simm.s32 $0x1  }
0x2: {  	[smem:$0x3F9E] =	sst lr;
	_ =	strace $0xD0000000  }
0x3: {  	_ = 	snop  }
0x4: {  	_ = 	snop  }
0x5: {  	_ = 	snop  }
0x6: {  	_ = 	snop  }
0x7: {  	_ = 	snop  }
__scs_overlays_trampoline_lowered:
0x8: {  	[smem:$0x3FAD] =	sst s0  }
0x9: {  	[smem:$0x3FAE] =	sst s1  }
0xa: {  	[smem:$0x3FAF] =	sst s2  }
0xb: {  	[smem:$0x3FB0] =	sst s3  }
0xc: {  	[smem:$0x3FB1] =	sst s4  }
0xd: {  	[smem:$0x3FB2] =	sst s5  }
0xe: {  	[smem:$0x3FB3] =	sst s6  }
0xf: {  	[smem:$0x3FB4] =	sst s7  }
0x10: {  	[smem:$0x3FB5] =	sst s8  }
0x11: {  	[smem:$0x3FB6] =	sst s9;
	s0 =	simm.s32 @!p0 $0x0  }
0x12: {  	s1 =	sld [smem:$0x3F9C];
	s0 =	simm.s32 @p0 $0x1  }
0x13: {  	[smem:$0x3FB7] =	sst s0;
	s0 =	simm.s32 @!p1 $0x0  }
0x14: {  	s2 =	sld [smem:$0x3F9B];
	s0 =	simm.s32 @p1 $0x1  }
0x15: {  	[smem:$0x3FB8] =	sst s0;
	s0 =	simm.s32 @!p2 $0x0  }
0x16: {  	s3 =	sld [smem:$0x3FDB];
	s0 =	simm.s32 @p2 $0x1  }
0x17: {  	s4 =	simm.s32 $0x1BF5;
	[smem:$0x3FBA] =	sst s0  }
0x18: {  	s0 =	sld [smem:$0x3F9D];
	_ =	swait.ge [sflag:s4], $0x0  }
0x19: {  	s7 =	sld [smem:$0x3F9E]  }
0x1a: {  	s8 =	sadd.s32 $0xFFFFE003, lr  }
0x1b: {  	s9 =	sadd.s32 $0xFFFFFEF7, lr;
	s5 =	simm.s32 $0xFFFFFFFF;
	p2 =	slt.u32 s8, $0xFFFFF086  }
0x1c: {  	p1 =	slt.u32 s9, $0xF7A;
	s5 =	simm.s32 @!p2 $0x0  }
0x1d: {  	s5 =	simm.s32 @p1 $0x1;
	p0 =	seq.s32 s7, s2  }
0x1e: {  	s7 =	smul.u32 @!p0 $0xF7A, s2;
	p2 =	seq.s32 @!p0 s5, $0x0  }
0x1f: {  	s9 =	smul.u32 $0xF7A, s1;
	s8 =	simm.s32 @!p0 $0x1BF5;
	p2 =	por !p2, p0  }
0x20: {  	[sflag:s8] =	ssyncset.s32 @!p0 $0xFFFFF086;
	s6 =	sadd.s32 @!p0 s3, s7;
	s7 =	simm.s32 @!p0 $0x108  }
0x21: {  	s3 =	sadd.s32 s3, s9;
	s6 =	sadd.s32 @!p0 $0x88, s6;
	s7 =	simm.s32 @p2 $0x1082  }
0x22: {  	[simem:s7], [sflag:s8] =	dma.local @!p0 [hbm:s6], $0xF7A  }
0x23: {  	s9 =	sor.u32 $0xD0000000, s2;
	s6 =	simm.s32 $0x108;
	_ =	swait.ge @!p0 [sflag:s8], $0x0  }
0x24: {  	s3 =	sadd.s32 $0x88, s3;
	s6 =	simm.s32 @!p1 $0x1082;
	[sflag:s4] =	ssyncset.s32 $0xFFFFF086  }
0x25: {  	[simem:s6], [sflag:s4] =	dma.local [hbm:s3], $0xF7A  }
0x26: {  	[smem:$0x3F9E] =	sst s1;
	(tag) =	ssettag s2;
	_ =	strace s9  }
0x27: {  	s1 =	sld [smem:$0x3FAE]  }
0x28: {  	s2 =	sld [smem:$0x3FAF]  }
0x29: {  	s4 =	sld [smem:$0x3FB1]  }
0x2a: {  	p0 =	seq.s32 s5, $0x0;
	s5 =	sld [smem:$0x3FB2]  }
0x2b: {  	s6 =	sld [smem:$0x3FB3]  }
0x2c: {  	s7 =	sld [smem:$0x3FB4]  }
0x2d: {  	s3 =	simm.s32 $0x108;
	s8 =	sld [smem:$0x3FB5]  }
0x2e: {  	s3 =	simm.s32 @!p0 $0x1082;
	s9 =	sld [smem:$0x3FB6]  }
0x2f: {  	lr =	sadd.s32 s0, s3;
	s0 =	sld [smem:$0x3FAD]  }
0x30: {  	s3 =	sld [smem:$0x3FB0]  }
0x31: {  	[smem:$0x3FB9] =	sst s10  }
0x32: {  	s10 =	sld [smem:$0x3FB7];
	_ =	sdelay $0x3  }
0x33: {  	p0 =	seq.s32 s10, $0x1;
	s10 =	sld [smem:$0x3FB9];
	_ =	sdelay $0x3  }
0x34: {  	[smem:$0x3FB9] =	sst s10  }
0x35: {  	s10 =	sld [smem:$0x3FB8];
	_ =	sdelay $0x3  }
0x36: {  	p1 =	seq.s32 s10, $0x1;
	s10 =	sld [smem:$0x3FB9];
	_ =	sdelay $0x3  }
0x37: {  	[smem:$0x3FB9] =	sst s10  }
0x38: {  	s10 =	sld [smem:$0x3FBA]  }
0x39: {  	_ = 	snop;
	(pc) =	sbr.ind lr, $3  }
0x3a: {  	_ = 	snop  }
0x3b: {  	_ = 	snop  }
0x3c: {  	p2 =	seq.s32 s10, $0x1;
	s10 =	sld [smem:$0x3FB9]  }
0x3d: {  	_ =	shalt  }
0x3e: {  	_ =	shalt  }
0x3f: {  	_ =	shalt  }
0x40: {  	_ =	shalt  }
0x41: {  	_ =	shalt  }
0x42: {  	_ =	shalt  }
0x43: {  	_ =	shalt  }
0x44: {  	_ =	shalt  }
0x45: {  	_ =	shalt  }
0x46: {  	_ =	shalt  }
0x47: {  	_ =	shalt  }
0x48: {  	_ =	shalt  }
0x49: {  	_ =	shalt  }
0x4a: {  	_ =	shalt  }
0x4b: {  	_ =	shalt  }
0x4c: {  	_ =	shalt  }
0x4d: {  	_ =	shalt  }
0x4e: {  	_ =	shalt  }
0x4f: {  	_ =	shalt  }
0x50: {  	_ =	shalt  }
0x51: {  	_ =	shalt  }
0x52: {  	_ =	shalt  }
0x53: {  	_ =	shalt  }
0x54: {  	_ =	shalt  }
0x55: {  	_ =	shalt  }
0x56: {  	_ =	shalt  }
0x57: {  	_ =	shalt  }
0x58: {  	_ =	shalt  }
0x59: {  	_ =	shalt  }
0x5a: {  	_ =	shalt  }
0x5b: {  	_ =	shalt  }
0x5c: {  	_ =	shalt  }
0x5d: {  	_ =	shalt  }
0x5e: {  	_ =	shalt  }
0x5f: {  	_ =	shalt  }
0x60: {  	_ =	shalt  }
0x61: {  	_ =	shalt  }
0x62: {  	_ =	shalt  }
0x63: {  	_ =	shalt  }
0x64: {  	_ =	shalt  }
0x65: {  	_ =	shalt  }
0x66: {  	_ =	shalt  }
0x67: {  	_ =	shalt  }
0x68: {  	_ =	shalt  }
0x69: {  	_ =	shalt  }
0x6a: {  	_ =	shalt  }
0x6b: {  	_ =	shalt  }
0x6c: {  	_ =	shalt  }
0x6d: {  	_ =	shalt  }
0x6e: {  	_ =	shalt  }
0x6f: {  	_ =	shalt  }
0x70: {  	_ =	shalt  }
0x71: {  	_ =	shalt  }
0x72: {  	_ =	shalt  }
0x73: {  	_ =	shalt  }
0x74: {  	_ =	shalt  }
0x75: {  	_ =	shalt  }
0x76: {  	_ =	shalt  }
0x77: {  	_ =	shalt  }
0x78: {  	_ =	shalt  }
0x79: {  	_ =	shalt  }
0x7a: {  	_ =	shalt  }
0x7b: {  	_ =	shalt  }
0x7c: {  	_ =	shalt  }
0x7d: {  	_ =	shalt  }
0x7e: {  	_ =	shalt  }
0x7f: {  	_ =	shalt  }
0x80: {  	_ =	shalt  }
0x81: {  	_ =	shalt  }
0x82: {  	_ =	shalt  }
0x83: {  	_ =	shalt  }
0x84: {  	_ =	shalt  }
0x85: {  	_ =	shalt  }
0x86: {  	_ =	shalt  }
0x87: {  	_ =	shalt  }
.Lfunc_end0:
.L_simem_size_0:
called_computation.1_lowered:
.L_overlay_start_0:
0x88: {  	s0 =	sld [smem:$0x3FD9]  }
0x89: {  	s1 =	sld [smem:$0x3FFE];
	_ =	sdelay $0x3  }
0x8a: {  	s0 =	sadd.s32 s1, s0  }
0x8b: {  	[smem:$0x3FC5] =	sst s0  }
0x8c: {  	_ = 	snop  }
0x8d: {  	s0 =	sld [smem:$0x3FD0];
	_ =	sdelay $0x2  }
0x8e: {  	s13 =	simm.s32 $0xA;
	s2 =	simm.s32 $0x10  }
0x8f: {  	[smem:s2], [sflag:s13] =	dma.local [hbm:s0], $0x1  }
0x90: {  	_ =	swait.eq [sflag:s13], $0x1  }
0x91: {  	[sflag:s13] =	ssyncset.done $0x0  }
0x92: {  	s14 =	sld [smem:$0x10];
	[sflag:s13] =	ssyncadd.s32 $0xFFFFFFFF  }
0x93: {  	s15 =	sld [smem:$0x11];
	(tm) =	ssettm $0x1  }
0x94: {  	s16 =	sld [smem:$0x3FFB];
	_ =	sdelay $0x3  }
0x95: {  	_ =	strace s16  }
0x96: {  	s2 =	sld [smem:$0x3FFC];
	_ =	sdelay $0x3  }
0x97: {  	_ =	strace s2  }
0x98: {  	s2 =	sld [smem:$0x3FFD];
	_ =	sdelay $0x3  }
0x99: {  	_ =	strace s2  }
0x9a: {  	_ =	strace $0x8FFFFFFF  }
0x9b: {  	s17 =	sld [smem:$0x3FDB];
	_ =	sdelay $0x1  }
0x9c: {  	s3 =	simm.s32 $_scs_section_size  }
0x9d: {  	s4 =	simm.s32 $_size__tile_overlayer_lowered;
	s5 =	simm.s32 $_tile_overlayer_lowered  }
0x9e: {  	s20 =	simm.s32 $0x1BFF;
	s19 =	sshll.u32 s5, $0x1;
	s2 =	sadd.s32 s3, s17  }
0x9f: {  	s6 =	simm.s32 $0x0;
	s18 =	sshll.u32 s4, $0x1;
	s4 =	sadd.s32 s19, s2  }
0xa0: {  	[timem:s6], [sflag:s20] =	dma.local [hbm:s4], s18  }
0xa1: {  	_ =	swait.ge [sflag:s20], s18  }
0xa2: {  	s3 =	ssub.s32 $0x0, s18;
	[sflag:s20] =	ssyncset.done $0x0  }
0xa3: {  	[sflag:s20] =	ssyncadd.s32 s3;
	_ =	sdelay $0x1  }
0xa4: {  	s21 =	simm.s32 $0x1B8B  }
0xa5: {  	_ =	swait.ge [sflag:s21], $0x1  }
0xa6: {  	[sflag:s21] =	ssyncset.done $0x0  }
0xa7: {  	s23 =	simm.s32 $0x1B8E;
	s22 =	sld [smem:$0x3FFE];
	[sflag:s21] =	ssyncadd.s32 $0xFFFFFFFF  }
0xa8: {  	s24 =	simm.s32 $execute0_lowered;
	[smem:$0x3FD2] =	sst s23  }
0xa9: {  	s4 =	sshll.u32 s24, $0x1;
	_ =	strace $0x80000049;
	[dreg:$0x1] =	wrdreg $0xFFFFFFFF  }
0xaa: {  	s25 =	simm.s32 $_size_execute0_lowered;
	s2 =	sadd.s32 s2, s4;
	[dreg:$0x0] =	wrdreg $0x0  }
0xab: {  	s4 =	sshll.u32 s25, $0x1;
	[dreg:$0x2] =	wrdreg s2  }
0xac: {  	[dreg:$0x3] =	wrdreg s4  }
0xad: {  	[dreg:$0x4] =	wrdreg $0xC0  }
0xae: {  	_ =	task [dreg:s6], $0x5FFFF  }
0xaf: {  	[dreg:$0x1] =	wrdreg $0xFFFFFFFF  }
0xb0: {  	[dreg:$0x0] =	wrdreg $0x60  }
0xb1: {  	[dreg:$0x2] =	wrdreg s22  }
0xb2: {  	[dreg:$0x3] =	wrdreg s14  }
0xb3: {  	[dreg:$0x4] =	wrdreg s15  }
0xb4: {  	[dreg:$0x5] =	wrdreg $0x9  }
0xb5: {  	_ =	task.clear_ibuf [dreg:s6], $0x6FFFF;
	_ =	strace $0x90000049  }
0xb6: {  	s26 =	simm.s32 $0x9;
	_ =	strace $0x8000004B  }
0xb7: {  	_ =	swait.ge [sflag:s26], $0x1  }
0xb8: {  	[sflag:s26] =	ssyncadd.s32 $0xFFFFFFFF  }
0xb9: {  	_ =	strace $0x9000004B  }
0xba: {  	_ =	sfence  }
0xbb: {  	s28 =	sld [smem:$0x0];
	_ =	sdelay $0x1  }
0xbc: {  	s29 =	srdreg.scid  }
0xbd: {  	s30 =	sshll.u32 s29, $0xD;
	s31 =	sshrl.u32 s29, $0x2  }
0xbe: {  	s1 =	sand.u32 $0x1, s29;
	s2 =	sand.u32 $0x4000, s30;
	s0 =	sadd.s32 s31, s28  }
0xbf: {  	s1 =	sor.u32 s2, s1;
	s0 =	sshll.u32 s0, $0x11  }
0xc0: {  	s0 =	sor.u32 s0, s1  }
0xc1: {  	s0 =	sadd.s32 $0x8F2B, s0  }
0xc2: {  	[sflag:s0] =	ssyncadd.remote.s32 $0x1  }
0xc3: {  	_ =	sfence.sel $0xFFFF  }
0xc4: {  	[dreg:$0x0] =	wrdreg $0xFFFFFFFF;
	(pc) =	sbr.abs _section_cstart, $3  }
0xc5: {  	[dreg:$0x1] =	wrdreg $0xFFFFFFFF  }
0xc6: {  	_ =	task.clear_ibuf [dreg:s6], $0x2FFFF;
	_ =	strace $0x9FFFFFFF  }
0xc7: {  	(tm) =	ssettm $0x7FFFFFFF  }
tec
execute0_lowered:
.L_overlay_start_1:
0x0: {  	(tag) =	ssettag $0x1  }
0x1: {  	s0 =	rddreg [dreg:$0x0]  }
0x2: {  	s3 =	rddreg [dreg:$0x1];
	_ =	strace $0x8000004A;
	s15 =	stileid.u32  }
0x3: {  	s2 =	simm.s32 $0x1;
	s1 =	smin.u32 s15, $0x8;
	s5 =	sshll.u32 s15, $0x1  }
0x4: {  	[sflag:s2] =	ssyncpa.u1 $0x0;
	s1 =	sadd.s32 s1, s5  }
0x5: {  	v1 =	vimm.s32 $0xFFFFFFFF;
	p0 =	slt.u32 s15, $0x8;
	s6 =	smul.u32 $0x1F40, s1;
	s1 =	simm.s32 $0x5DC0  }
0x6: {  	[tilespmem:$0x10] =	vst v1;
	s1 =	simm.s32 @!p0 $0x3E80  }
0x7: {  	v0 =	vimm.f32 $0.0e+00;
	[tilespmem:$0x20] =	vst v1;
	s1 =	sadd.s32 s1, s6  }
0x8: {  	[tilespmem:$0x30] =	vst v0;
	s7 =	smin.u32 s1, $0x4E200  }
0x9: {  	s8 =	simm.s32 $0x2;
	[tilespmem:$0x40] =	vst v0;
	s1 =	ssub.s32 s7, s6  }
0xa: {  	s9 =	simm.s32 $0x8;
	s31 =	simm.s32 $0x9;
	[tilespmem:$0x50] =	vst v0;
	p0 =	sgt.s32 s1, $0x0  }
0xb: {  	s16 =	simm.s32 $0x0;
	s17 =	simm.s32 $0xF0;
	[tilespmem:$0x60] =	vst v1;
	s1 =	simm.s32 @!p0 $0x0  }
0xc: {  	s18 =	simm.s32 $0xFFFFFFFF;
	s19 =	simm.s32 $0xFFFFC280;
	[tilespmem:$0x70] =	vst v1;
	s4 =	smulhi.u32 $0x10624DD3, s1  }
0xd: {  	s20 =	simm.s32 $0xFFFFFFFE;
	s21 =	simm.s32 $0xF;
	s22 =	simm.s32 $0x30;
	[tilespmem:$0x80] =	vst v1  }
0xe: {  	s25 =	simm.s32 $0x0;
	s24 =	simm.s32 $0x0;
	v1 =	vimm.s32 $0x0;
	[tilespmem:$0xB0] =	vst v0;
	s4 =	sshrl.u32 s4, $0x9  }
0xf: {  	s15 =	sshllo.u32 s15, $0x1;
	s13 =	sor.u32 $0x80, s5;
	[tilespmem:$0x90] =	vst v1;
	s10 =	smul.u32 $0x1F40, s4  }
.Ltmp0:
0x10: {  	[tilespmem:$0xA0] =	vst v1;
	[sflag:s8] =	ssyncpa.u1 $0x0;
	s8 =	simm.s32 $0x7;
	(pc) =	sbr.rel .LBB2_1-.Ltmp0, $4  }
0x11: {  	s14 =	sor.u32 $0x81, s5;
	[sflag:s8] =	ssyncpa.u1 $0x0;
	p0 =	sne.s32 s1, s10  }
0x12: {  	[sflag:s9] =	ssyncpa.u1 $0x0;
	s23 =	smov.u32 s6;
	s2 =	simm.s32 @!p0 $0x0  }
0x13: {  	vm0 =	vmmov $0xffff;
	v2 =	vlaneseq.u32;
	[sflag:s31] =	ssyncpa.u1 $0x0;
	s1 =	sadd.s32 $0x6E600, s0;
	s10 =	sadd.s32 s2, s4  }
0x14: {  	vm1 =	vmxor vm1, vm1;
	vm2 =	vmmov $0x1;
	vm3 =	vcmask $0x3F3C;
	p0 =	por $0x0, $0x0;
	s11 =	sadd.s32 $0x1, s10;
	s12 =	sadd.s32 $0x2, s10  }
.LBB2_9:
0x15: {  	p1 =	slt.u32 s24, $0x3  }
0x16: {  	s0 =	simm.s32 @!p1 $0x2  }
0x17: {  	_ =	swait.ge @!p1 [sflag:s0], $0x1F40  }
0x18: {  	[sflag:s0] =	ssyncset.done @!p1 $0x0  }
0x19: {  	[sflag:s0] =	ssyncadd.s32 @!p1 $0xFFFFE0C0;
	s0 =	simm.s32 @!p1 $0x9  }
0x1a: {  	_ =	swait.ge @!p1 [sflag:s0], $0x10  }
0x1b: {  	[sflag:s0] =	ssyncset.done @!p1 $0x0  }
0x1c: {  	[sflag:s0] =	ssyncadd.s32 @!p1 $0xFFFFFFF0;
	p1 =	sne.s32 s24, s12  }
.Ltmp1:
0x1d: {  	s2 =	sadd.s32 $0x1F40, s23;
	(pc) =	sbr.rel @!p1 .LBB2_10-.Ltmp1, $4  }
0x1e: {  	s4 =	smov.u32 s6;
	s31 =	sadd.s32 $0x1, s24;
	s17 =	sadd.s32 $0x1F40, s17  }
0x1f: {  	s18 =	sadd.s32 $0x1, s18;
	s25 =	smov.u32 s23;
	p2 =	slt.s32 s2, s7  }
0x20: {  	p0 =	por !p0, !p0;
	s19 =	sadd.s32 $0x1F40, s19;
	s4 =	smov.u32 @p2 s2  }
0x21: {  	s20 =	sadd.s32 $0x1, s20;
	s23 =	smov.u32 s4;
	s24 =	smov.u32 s31  }
.LBB2_1:
0x22: {  	p1 =	sge.u32 s24, s10  }
0x23: {  	s0 =	smulhi.u32 @!p1 $0xAAAAAAAB, s24;
	_ =	sdelay $0x1  }
0x24: {  	s0 =	sshrl.u32 @!p1 s0, $0x1  }
0x25: {  	s0 =	smul.u32 @!p1 $0x3, s0;
	_ =	sdelay $0x1  }
0x26: {  	s0 =	ssub.s32 @!p1 s24, s0  }
0x27: {  	s0 =	smul.u32 @!p1 $0x7D00, s0;
	_ =	sdelay $0x1  }
0x28: {  	s2 =	sshrl.u32 @!p1 s23, $0x3;
	s0 =	sshrl.u32 @!p1 s0, $0x2  }
0x29: {  	s4 =	sand.u32 @!p1 $0x7, s23;
	s2 =	sadd.s32 @!p1 s3, s2;
	s0 =	sadd.s32 @!p1 $0x100, s0  }
0x2a: {  	[tilespmem:s0], [sflag:$0x7] =	stream.linear.gather @!p1 [hbm4b:s2+s4], $0x1F40, $0x38;
	[tilespmem:$0x11A60] =	vst v63  }
0x2b: {  	s0 =	sadd.s32 $0xFFFFFFFF, s24  }
0x2c: {  	p1 =	sge.u32 s0, s10  }
.Ltmp2:
0x2d: {  	_ = 	snop;
	(pc) =	sbr.rel @p1 .LBB2_5-.Ltmp2, $1  }
0x2e: {  	_ =	sdelay $0x3  }
0x2f: {  	s2 =	smulhi.u32 $0xAAAAAAAB, s0;
	_ =	sdelay $0x1  }
0x30: {  	s2 =	sshrl.u32 s2, $0x1  }
0x31: {  	s2 =	smul.u32 $0x3, s2;
	_ =	sdelay $0x1  }
0x32: {  	s2 =	ssub.s32 s0, s2  }
0x33: {  	s2 =	smul.u32 $0x7D00, s2  }
0x34: {  	_ =	swait.ge [sflag:s8], $0x1F40  }
0x35: {  	[sflag:s8] =	ssyncset.done $0x0;
	s2 =	sshrl.u32 s2, $0x2  }
0x36: {  	[sflag:s8] =	ssyncadd.s32 $0xFFFFE0C0;
	(ifvalue) =	ssetifvalue $0xFFFFFFFF;
	v3 =	vld.msk [tilespmem:s2+$0x100 ss:$0x1], $0xffff;
	_ =	sdelay $0x2  }
0x37: {  	s30 =	smulhi.u32 $0xAAAAAAAB, s18;
	p1 =	sne.s32 s24, $0x1  }
0x38: {  	v4 =	vimm.s32 @!p1 $0x0  }
0x39: {  	s2 =	sshrl.u32 s30, $0x1;
	v4 =	vperm.xlane @!p1 v3, v4  }
0x3a: {  	s4 =	sshll.u32 s24, $0x4;
	s2 =	smul.u32 $0xFFFE8900, s2;
	vm4 =	vlt.u32 v3, $0x6400000  }
0x3b: {  	s4 =	sand.u32 $0x10, s4;
	v3 =	vnsel vm4, $0xFFFFFFFE, v3;
	vm4 =	vlt.u32 @!p1 v4, $0x6400000  }
0x3c: {  	s2 =	sshra.s32 s2, $0x2;
	[tilespmem:s4+$0x60] =	vst v3;
	v3 =	vnsel @!p1 vm4, $0xFFFFFFFE, v4  }
0x3d: {  	s28 =	sadd.s32 s2, s17;
	[tilespmem:$0x80] =	vst @!p1 v3  }
0x3e: {  	v3 =	vld.msk [tilespmem:s28+$0x0 ss:$0x1], $0xffff;
	_ =	sdelay $0x4  }
0x3f: {  	(xrf1) =	vunique.msk.u32 $0xffff, v3;
	_ =	sdelay $0xd  }
0x40: {  	v4 =	vimm.s32 $0xFFFFFFFF;
	v5, _, _ =	vpop (xrf1)  }
0x41: {  	vm5 =	vne.s32 v3, v4;
	vm4 =	veq.s32 v5, v2  }
0x42: {  	vm6 =	vlt.u32 v3, $0x6400000;
	vm4 =	vmand vm5, vm4  }
0x43: {  	vm4 =	vmand vm6, vm4  }
0x44: {  	v4 =	vnsel vm4, $0xFFFFFFFF, v3  }
0x45: {  	s31 =	sand.u32 $0x1, s0  }
0x46: {  	s0 =	simm.s32 $0x1F40;
	p1 =	seq.s32 s31, $0x1  }
0x47: {  	s0 =	simm.s32 @!p1 $0x0  }
0x48: {  	s26 =	sadd.s32 $0x7DF0, s0;
	(ifvalue) =	ssetifvalue $0xFFFFFFFF  }
0x49: {  	v3 =	vperm.xlane v3, v1;
	[tilespmem:s26], [sflag:$0x8] =	stream.indirect_vreg.gather [hbm4b:s1+s16], $0x1, v4, vm0, $0x4038;
	v4 =	vnsel vm6, $0xFFFFFFFE, v4;
	[tilespmem:$0x11A60] =	vst v63  }
0x4a: {  	s2 =	simm.s32 $0x0;
	s4 =	sadd.s32 $0xFFFFFFF0, s28;
	[tilespmem:s28+$0x0] =	vst v4  }
.LBB2_3:
0x4b: {  	v4 =	vld.msk [tilespmem:s4+$0x0 ss:$0x1], $0xffff;
	s2 =	sadd.s32 $0x10, s2;
	v5 =	vmov v3;
	s28 =	smov.u32 s4  }
0x4c: {  	p1 =	slt.u32 s2, $0x1F30;
	_ =	sdelay $0x4  }
0x4d: {  	v3 =	vperm.xlane v4, v1;
	(xrf1) =	vunique.msk.u32 $0xffff, v4;
	_ =	sdelay $0xd  }
0x4e: {  	v6, _, _ =	vpop (xrf1)  }
0x4f: {  	vm5 =	vne.s32 v4, v5;
	vm4 =	veq.s32 v6, v2  }
0x50: {  	vm6 =	vlt.u32 v4, $0x6400000;
	vm4 =	vmand vm5, vm4  }
0x51: {  	vm4 =	vmand vm6, vm4  }
0x52: {  	v4 =	vnsel vm4, $0xFFFFFFFF, v4  }
.Ltmp3:
0x53: {  	v5 =	vnsel vm6, $0xFFFFFFFE, v4;
	(pc) =	sbr.rel @p1 .LBB2_3-.Ltmp3, $3  }
0x54: {  	_ =	sdelay $0x1  }
0x55: {  	s4 =	sadd.s32 $0xFFFFFFF0, s4;
	s26 =	sadd.s32 $0xFFFFFFF0, s26;
	(ifvalue) =	ssetifvalue $0xFFFFFFFF  }
0x56: {  	[tilespmem:s26], [sflag:$0x8] =	stream.indirect_vreg.gather [hbm4b:s1+s16], $0x1, v4, vm0, $0x4038;
	[tilespmem:s28+$0x0] =	vst v5  }
0x57: {  	s2 =	sshrl.u32 s25, $0x3;
	s4 =	rddreg [dreg:$0x2]  }
0x58: {  	s0 =	sadd.s32 $0x9D40, s0;
	s2 =	sadd.s32 s4, s2  }
0x59: {  	[tilespmem:s0], [sflag:$0x8] =	stream.linear.gather [hbm:s2], $0x1F40, $0x38;
	[tilespmem:$0x11A60] =	vst v63  }
.LBB2_5:
0x5a: {  	p1 =	slt.u32 s24, $0x2  }
0x5b: {  	p2 =	sge.u32 @!p1 s24, s12  }
0x5c: {  	p1 =	por p1, p2  }
.Ltmp4:
0x5d: {  	_ = 	snop;
	(pc) =	sbr.rel @p1 .LBB2_9-.Ltmp4, $1  }
0x5e: {  	_ =	sdelay $0x3  }
0x5f: {  	s0 =	sadd.s32 $0xFFFFFFFE, s24  }
0x60: {  	s2 =	smulhi.u32 $0xAAAAAAAB, s0;
	_ =	sdelay $0x1  }
0x61: {  	s2 =	sshrl.u32 s2, $0x1  }
0x62: {  	s2 =	smul.u32 $0x3, s2;
	_ =	sdelay $0x1  }
0x63: {  	s0 =	ssub.s32 s0, s2  }
0x64: {  	_ =	swait.ge [sflag:s9], $0x3E80;
	s0 =	smul.u32 $0x1F40, s0  }
0x65: {  	p1 =	sne.s32 s24, s11;
	[sflag:s9] =	ssyncset.done $0x0  }
0x66: {  	[sflag:s9] =	ssyncadd.s32 $0xFFFFC180;
	s2 =	sadd.s32 @!p1 $0x203F, s0  }
0x67: {  	[spmem:s14] =	stream.linear.scatter @!p1 [tilespmem:s2], [sflag:$0x1], $0x1, $0x38;
	[tilespmem:$0x11A60] =	vst v63  }
0x68: {  	s2 =	simm.s32 @!p1 $0x1  }
0x69: {  	_ =	swait.ge @!p1 [sflag:s2], $0x1  }
0x6a: {  	s4 =	sshll.u32 s24, $0x4;
	[sflag:s2] =	ssyncset.done @!p1 $0x0  }
0x6b: {  	s25 =	sand.u32 $0x10, s4;
	[sflag:s2] =	ssyncadd.s32 @!p1 $0xFFFFFFFF  }
0x6c: {  	s2 =	sxor.u32 $0x10, s25;
	v4 =	vld [tilespmem:s25+$0x10]  }
0x6d: {  	v5 =	vld [tilespmem:s2+$0x60]  }
0x6e: {  	v3 =	vld [tilespmem:$0x80];
	_ =	sdelay $0x2  }
0x6f: {  	(v2sf) =	vpush v4, $0x0  }
0x70: {  	(v2sf) =	vpush v5, $0x0  }
0x71: {  	(v2sf) =	vpush v3, $0x0;
	_ =	sdelay $0xc  }
0x72: {  	s4 =	spop (v2sf)  }
0x73: {  	s26 =	spop (v2sf)  }
0x74: {  	s28 =	spop (v2sf)  }
0x75: {  	p2 =	seq.s32 s4, s26;
	p3 =	seq.s32 s28, s4  }
0x76: {  	p3 =	por p2, p3  }
0x77: {  	s26 =	sand.u32 $0x1, s24;
	v4 =	vpsel p3, $0xFFFFFFFF, v4  }
0x78: {  	s29 =	smul.u32 $0x1F40, s26;
	[tilespmem:s25+$0x10] =	vst.msk $0x1, v4  }
0x79: {  	v4 =	vld [tilespmem:$0x30]  }
0x7a: {  	v5 =	vld [tilespmem:s29+$0x9D40]  }
0x7b: {  	v6 =	vld [tilespmem:s25+$0x40];
	_ =	sdelay $0x3  }
0x7c: {  	vm4 =	vmmov vm1;
	v5 =	vadd.f32 v5, v4  }
0x7d: {  	vm5 =	vmmov vm2;
	vm4 =	vmmov @p2 vm2;
	s4 =	sshll.u32 s26, $0x4;
	v4 =	vadd.f32 v6, v4  }
0x7e: {  	s26 =	sor.u32 $0x11A40, s4;
	vm5 =	vmmov @p3 vm1;
	[tilespmem:s29+$0x9D40] =	vst.msk vm4, v5  }
0x7f: {  	[tilespmem:s26+$0x0] =	vst.msk vm5, v4  }
0x80: {  	v4 =	vld [tilespmem:s29+$0x7DF0];
	_ =	sdelay $0x3  }
0x81: {  	v5 =	vimm.f32 $0.0e+00  }
0x82: {  	v4 =	vshift.insert v4, v5, s21  }
0x83: {  	s4 =	sor.u32 $0x40, s2  }
0x84: {  	[tilespmem:s4+$0x0] =	vst.msk $0x1, v4  }
0x85: {  	[tilespmem:s29+$0x7DFF] =	vst.msk $0x1, v5  }
0x86: {  	v4 =	vld [tilespmem:s0+$0x2030];
	_ =	sdelay $0x1  }
0x87: {  	s4 =	smulhi.u32 $0xAAAAAAAB, s20;
	s0 =	simm.s32 $0x1  }
0x88: {  	s0 =	simm.s32 @!p0 $0x0  }
0x89: {  	s4 =	sshrl.u32 s4, $0x1;
	s0 =	smul.u32 $0x7D00, s0  }
0x8a: {  	s4 =	smul.u32 $0xFFFE8900, s4;
	v4 =	vshift.insert v4, v1, s21  }
0x8b: {  	s0 =	sshrl.u32 s0, $0x2  }
0x8c: {  	s4 =	sshra.s32 s4, $0x2;
	s30 =	sadd.s32 $0x9D40, s0;
	[tilespmem:s2+$0x10] =	vst.msk $0x1, v4  }
0x8d: {  	s4 =	sadd.s32 s4, s19;
	v6 =	vld [tilespmem:s30+$0x0]  }
0x8e: {  	v7 =	vld [tilespmem:s4+$0x0];
	_ =	sdelay $0x3  }
0x8f: {  	v5 =	vadd.f32 v6, v5  }
0x90: {  	vm4 =	vne.s32 v7, $0xFFFFFFFF  }
0x91: {  	(xrf2) =	vadd.seg.scan.f32 vm4, v5;
	_ =	sdelay $0x3  }
0x92: {  	s31 =	sadd.s32 $0x5EC0, s0;
	v5 =	vperm.xlane v4, v1  }
0x93: {  	v6 =	vld [tilespmem:s31+$0x0]  }
0x94: {  	vm5 =	veq.s32 v7, v3;
	vm6 =	veq.s32 v7, v5  }
0x95: {  	vm7 =	vgt.u32 v7, $0xFFFFFFFD;
	vm6 =	vmor vm6, vm5  }
0x96: {  	vm6 =	vmor vm6, vm7  }
0x97: {  	v9 =	vld [tilespmem:$0xA0];
	v7 =	vsel vm6, $0xFFFFFFFF, v7  }
0x98: {  	v10 =	vld [tilespmem:$0x90];
	v6 =	vsel vm5, $0x0, v6;
	v8, _, _ =	vpop (xrf2)  }
0x99: {  	v6 =	vadd.f32 v8, v6  }
0x9a: {  	s0 =	sadd.s32 $0xDBC0, s0  }
0x9b: {  	vm4 =	vmand vm4, vm3;
	[tilespmem:s0+$0x0] =	vst v6;
	(ifvalue) =	ssetifvalue $0xFFFFFFFF  }
0x9c: {  	vm6 =	veq.s32 v9, $0x1;
	[hbm4b:s1+s16] =	stream.indirect_vreg.scatter [tilespmem:s0], [sflag:$0x2], $0x1, v7, vm0, $0x4038;
	v7 =	vsel vm4, $0x0, v8;
	[tilespmem:$0x11A60] =	vst v63  }
0x9d: {  	s2 =	simm.s32 $0x0;
	s4 =	sadd.s32 $0x10, s4;
	vm4 =	vmor vm6, vm5;
	v6 =	vsel vm5, v8, v10;
	v7 =	vshift.insert v7, v0, s21  }
.LBB2_7:
0x9e: {  	v8 =	vld [tilespmem:s4+$0x0];
	s30 =	sadd.s32 $0x10, s30  }
0x9f: {  	s31 =	sadd.s32 $0x10, s31;
	v9 =	vld [tilespmem:s30+$0x0]  }
0xa0: {  	s2 =	sadd.s32 $0x10, s2;
	v10 =	vld [tilespmem:s31+$0x0]  }
0xa1: {  	p2 =	slt.u32 s2, $0x1F30;
	_ =	sdelay $0x2  }
0xa2: {  	v7 =	vadd.f32 v9, v7  }
0xa3: {  	vm5 =	vne.s32 v8, $0xFFFFFFFF  }
0xa4: {  	vm6 =	vmand vm5, vm3;
	(xrf2) =	vadd.seg.scan.f32 vm5, v7;
	_ =	sdelay $0x5  }
0xa5: {  	vm7 =	veq.s32 v8, v5;
	vm5 =	veq.s32 v8, v3  }
0xa6: {  	vm8 =	vgt.u32 v8, $0xFFFFFFFD;
	vm4 =	vmor vm4, vm5;
	vm7 =	vmor vm7, vm5  }
0xa7: {  	vm7 =	vmor vm7, vm8  }
0xa8: {  	v8 =	vsel vm7, $0xFFFFFFFF, v8  }
.Ltmp5:
0xa9: {  	v7 =	vsel vm5, $0x0, v10;
	v9, _, _ =	vpop (xrf2);
	(pc) =	sbr.rel @p2 .LBB2_7-.Ltmp5, $4  }
0xaa: {  	v6 =	vsel vm5, v9, v6;
	v10 =	vadd.f32 v9, v7;
	v7 =	vsel vm6, $0x0, v9  }
0xab: {  	s0 =	sadd.s32 $0x10, s0;
	v7 =	vshift.insert v7, v0, s21  }
0xac: {  	s4 =	sadd.s32 $0x10, s4;
	[tilespmem:s0+$0x0] =	vst v10;
	(ifvalue) =	ssetifvalue $0xFFFFFFFF  }
0xad: {  	[hbm4b:s1+s16] =	stream.indirect_vreg.scatter [tilespmem:s0], [sflag:$0x2], $0x1, v8, vm0, $0x4038;
	[tilespmem:$0x11A60] =	vst v63  }
0xae: {  	v3 =	vld [tilespmem:s29+$0xFAF0];
	_ =	sdelay $0x4  }
0xaf: {  	v3 =	vshift.insert v3, v0, s21;
	_ =	sdelay $0x1  }
0xb0: {  	[tilespmem:s22+$0x0] =	vst.msk $0x1, v3  }
0xb1: {  	v3 =	vsel vm4, $0x1, v1;
	[tilespmem:$0x90] =	vst v6  }
0xb2: {  	s0 =	sadd.s32 @!p1 $0xFAFF, s29;
	[tilespmem:$0xA0] =	vst v3  }
0xb3: {  	[spmem:s15] =	stream.linear.scatter @!p1 [tilespmem:s0], [sflag:$0x1], $0x1, $0x38;
	[tilespmem:$0x11A60] =	vst v63  }
0xb4: {  	s0 =	simm.s32 @!p1 $0x1  }
0xb5: {  	v3 =	vmctz.xlane @!p1 vm4;
	_ =	swait.ge @!p1 [sflag:s0], $0x1  }
0xb6: {  	(v2sf) =	vpush @!p1 v4, $0x0  }
0xb7: {  	(v2sf) =	vpush @!p1 v3, $0x0;
	_ =	sdelay $0xd  }
0xb8: {  	s2 =	spop @!p1 (v2sf)  }
0xb9: {  	s4 =	spop @!p1 (v2sf)  }
0xba: {  	p2 =	sne.s32 @!p1 s28, s2;
	p3 =	slt.s32 @!p1 s4, $0xF  }
0xbb: {  	[sflag:s0] =	ssyncset.done @!p1 $0x0;
	p2 =	por p2, p1;
	p3 =	por !p3, p1  }
0xbc: {  	[sflag:s0] =	ssyncadd.s32 @!p1 $0xFFFFFFFF;
	v3 =	vimm.s32 @!p2 $0xFFFFFFFF;
	s4 =	simm.s32 @p3 $0xF  }
0xbd: {  	[tilespmem:$0x80] =	vst @!p2 v3;
	s2 =	sadd.s32 @!p1 $0x90, s4  }
0xbe: {  	[spmem:s5] =	stream.linear.scatter @!p1 [tilespmem:s2], [sflag:$0x1], $0x1, $0x38;
	[tilespmem:$0x11A60] =	vst v63  }
0xbf: {  	_ =	swait.ge @!p1 [sflag:s0], $0x1  }
0xc0: {  	[sflag:s0] =	ssyncset.done @!p1 $0x0  }
0xc1: {  	s2 =	simm.s32 @!p1 $0x80;
	[sflag:s0] =	ssyncadd.s32 @!p1 $0xFFFFFFFF  }
0xc2: {  	[spmem:s13] =	stream.linear.scatter @!p1 [tilespmem:s2], [sflag:$0x1], $0x1, $0x38;
	[tilespmem:$0x11A60] =	vst v63  }
0xc3: {  	_ =	swait.ge @!p1 [sflag:s0], $0x1  }
0xc4: {  	[sflag:s0] =	ssyncset.done @!p1 $0x0  }
0xc5: {  	[sflag:s0] =	ssyncadd.s32 @!p1 $0xFFFFFFFF;
	(ifvalue) =	ssetifvalue $0xFFFFFFFF;
	v3 =	vld [tilespmem:s25+$0x10];
	_ =	sdelay $0x3  }
.Ltmp6:
0xc6: {  	_ = 	snop;
	(pc) =	sbr.rel .LBB2_9-.Ltmp6, $3  }
0xc7: {  	_ =	sdelay $0x1  }
0xc8: {  	(ifvalue) =	ssetifvalue $0xFFFFFFFF  }
0xc9: {  	[hbm4b:s1+s16] =	stream.indirect_vreg.scatter [tilespmem:s26], [sflag:$0x9], $0x1, v3, vm0, $0x4038;
	[tilespmem:$0x11A60] =	vst v63  }
.LBB2_10:
0xca: {  	_ =	sfence.sel $0x180000  }
0xcb: {  	s0 =	simm.s32 $0x7;
	[bflag:$0x0] =	sbarrier.arrive $0xFFFF  }
0xcc: {  	s26 =	simm.s32 $0x8;
	[sflag:s0] =	ssyncpa.u1 $0x1  }
0xcd: {  	s28 =	simm.s32 $0x9;
	[sflag:s26] =	ssyncpa.u1 $0x1  }
0xce: {  	[sflag:s28] =	ssyncpa.u1 $0x1  }
0xcf: {  	_ =	sfence.stream.spmem  }
0xd0: {  	s29 =	simm.s32 $0x3;
	[bflag:$0x0] =	sbarrier.arrive $0xFFFF  }
0xd1: {  	s30 =	simm.s32 $0x4;
	[sflag:s29] =	ssyncpa.u1 $0x1  }
0xd2: {  	s31 =	simm.s32 $0x3C;
	s2 =	stileid.u32;
	[sflag:s30] =	ssyncpa.u1 $0x1  }
0xd3: {  	p0 =	sne.s32 s2, $0x0;
	[sflag:s31] =	ssyncpa.u1 $0x1  }
0xd4: {  	s0 =	simm.s32 @p0 $0x1;
	_ =	sfence @p0  }
0xd5: {  	[sflag:s0] =	ssyncpa.u1 @p0 $0x1;
	s0 =	simm.s32 @p0 $0x2  }
0xd6: {  	[sflag:s0] =	ssyncpa.u1 @p0 $0x1  }
0xd7: {  	_ =	strace @p0 $0x9000004A  }
0xd8: {  	[bflag:$0x2] =	sbarrier.arrive @p0 $0xFFFF  }
0xd9: {  	_ =	shalt @p0  }
.LBB2_11:
0xda: {  	_ =	sfence.stream.spmem;
	s0 =	simm.s32 $0x5  }
0xdb: {  	s2 =	simm.s32 $0x80;
	s3 =	simm.s32 $0xC0;
	[sflag:s0] =	ssyncpa.u1 $0x0  }
0xdc: {  	[tilespmem:s3], [sflag:$0x5] =	stream.linear.gather [spmem:s2], $0x20, $0x38;
	[tilespmem:$0x11A60] =	vst v63  }
0xdd: {  	s2 =	simm.s32 $0x0;
	s3 =	simm.s32 $0xE0  }
0xde: {  	[tilespmem:s3], [sflag:$0x5] =	stream.linear.gather [spmem:s2], $0x20, $0x38;
	[tilespmem:$0x11A60] =	vst v63  }
.Ltmp7:
0xdf: {  	_ = 	snop;
	(pc) =	sbr.rel .LBB2_12-.Ltmp7, $4  }
0xe0: {  	_ =	swait.ge [sflag:s0], $0x40  }
0xe1: {  	[sflag:s0] =	ssyncset.done $0x0  }
0xe2: {  	s31 =	simm.s32 $0x6;
	[sflag:s0] =	ssyncadd.s32 $0xFFFFFFC0  }
0xe3: {  	s4 =	simm.s32 $0x0;
	[sflag:s31] =	ssyncpa.u1 $0x0  }
.LBB2_17:
0xe4: {  	p0 =	sgt.u32 s5, $0x63FFFFF  }
0xe5: {  	s0 =	sshrl.u32 @!p0 s5, $0x3  }
0xe6: {  	s5 =	sand.u32 @!p0 $0x7, s5;
	s6 =	simm.s32 @!p0 $0xB0;
	s0 =	sadd.s32 @!p0 s1, s0  }
0xe7: {  	[tilespmem:s6], [sflag:$0x6] =	stream.linear.gather @!p0 [hbm4b:s0+s5], $0x1, $0x38;
	[tilespmem:$0x11A60] =	vst v63  }
0xe8: {  	s0 =	simm.s32 @!p0 $0x6  }
0xe9: {  	_ =	swait.ge @!p0 [sflag:s0], $0x1  }
0xea: {  	[sflag:s0] =	ssyncset.done @!p0 $0x0  }
0xeb: {  	[sflag:s0] =	ssyncadd.s32 @!p0 $0xFFFFFFFF  }
0xec: {  	v2 =	vmov @!p0 s4;
	v1 =	vld.msk @!p0 [tilespmem:$0xB0], $0x1;
	_ =	sdelay $0x3  }
0xed: {  	s0 =	simm.s32 @!p0 $0xE0  }
0xee: {  	[tilespmem:v2+s0+$0x0], v1 =	vst.idx.ret.add.f32.msk @!p0 $0x1, v1  }
0xef: {  	[tilespmem:s2+$0xC0] =	vst.msk $0x1, v0  }
0xf0: {  	v0 =	vld.msk [tilespmem:s4+$0xE0], $0x1;
	_ =	sdelay $0x4  }
0xf1: {  	[tilespmem:s2+$0xE0] =	vst.msk $0x1, v0;
	s2 =	sadd.s32 $0x1, s2  }
.LBB2_19:
0xf2: {  	s4 =	sadd.s32 $0x1, s4  }
0xf3: {  	p0 =	sne.s32 s4, $0x20  }
.Ltmp8:
0xf4: {  	_ = 	snop;
	(pc) =	sbr.rel @!p0 .LBB2_20-.Ltmp8, $1  }
0xf5: {  	_ =	sdelay $0x3  }
.LBB2_12:
0xf6: {  	v0 =	vld.msk [tilespmem:s4+$0xC0], $0x1;
	_ =	sdelay $0x4  }
0xf7: {  	(v2sf) =	vpush v0, $0x0;
	_ =	sdelay $0xe  }
0xf8: {  	s5 =	spop (v2sf)  }
0xf9: {  	p0 =	seq.s32 s5, $0xFFFFFFFF  }
.Ltmp9:
0xfa: {  	_ = 	snop;
	(pc) =	sbr.rel @p0 .LBB2_19-.Ltmp9, $1  }
0xfb: {  	_ =	sdelay $0x3  }
0xfc: {  	p0 =	slt.s32 s2, $0x1  }
.Ltmp10:
0xfd: {  	_ = 	snop;
	(pc) =	sbr.rel @p0 .LBB2_17-.Ltmp10, $1  }
0xfe: {  	_ =	sdelay $0x3  }
0xff: {  	s0 =	simm.s32 $0xC0;
	p0 =	por $0x0, $0x0  }
0x100: {  	v1 =	vld.msk @!p0 [tilespmem:s0+$0x0], $0x1;
	_ =	sdelay $0x4  }
0x101: {  	(v2sf) =	vpush @!p0 v1, $0x0;
	_ =	sdelay $0xd  }
0x102: {  	p2 =	sne.s32 s2, $0x1  }
.Ltmp11:
0x103: {  	s6 =	spop @!p0 (v2sf);
	(pc) =	sbr.rel @!p2 .LBB2_16-.Ltmp11, $4  }
0x104: {  	p1 =	seq.s32 @!p0 s5, s6  }
0x105: {  	s6 =	simm.s32 $0x0;
	p1 =	por !p1, p0  }
0x106: {  	s8 =	simm.s32 $0xFFFFFFFF;
	s6 =	simm.s32 @p1 $0xFFFFFFFF  }
0x107: {  	s7 =	simm.s32 $0x1;
	s6 =	smov.u32 @p0 s8  }
.LBB2_15:
0x108: {  	s8 =	smov.u32 s6;
	p0 =	sne.s32 s6, $0xFFFFFFFF  }
0x109: {  	s0 =	sadd.s32 $0x1, s0;
	s6 =	smov.u32 s7;
	s7 =	sadd.s32 $0x1, s7  }
0x10a: {  	p1 =	sne.s32 s2, s7;
	v1 =	vld.msk @!p0 [tilespmem:s0+$0x0], $0x1;
	_ =	sdelay $0x4  }
0x10b: {  	(v2sf) =	vpush @!p0 v1, $0x0;
	_ =	sdelay $0xe  }
.Ltmp12:
0x10c: {  	s9 =	spop @!p0 (v2sf);
	(pc) =	sbr.rel @p1 .LBB2_15-.Ltmp12, $4  }
0x10d: {  	p2 =	seq.s32 @!p0 s5, s9  }
0x10e: {  	p2 =	por !p2, p0  }
0x10f: {  	s6 =	simm.s32 @p2 $0xFFFFFFFF  }
0x110: {  	s6 =	smov.u32 @p0 s8  }
.LBB2_16:
0x111: {  	p0 =	sne.s32 s6, $0xFFFFFFFF  }
.Ltmp13:
0x112: {  	_ = 	snop;
	(pc) =	sbr.rel @!p0 .LBB2_17-.Ltmp13, $1  }
0x113: {  	_ =	sdelay $0x3  }
0x114: {  	v0 =	vld.msk [tilespmem:s4+$0xE0], $0x1;
	v1 =	vmov s6  }
.Ltmp14:
0x115: {  	_ = 	snop;
	(pc) =	sbr.rel .LBB2_19-.Ltmp14, $2  }
0x116: {  	_ =	sdelay $0x2  }
0x117: {  	[tilespmem:v1+s3+$0x0], v0 =	vst.idx.ret.add.f32.msk $0x1, v0  }
.LBB2_20:
0x118: {  	p0 =	slt.s32 s2, $0x1  }
.Ltmp15:
0x119: {  	_ = 	snop;
	(pc) =	sbr.rel @p0 .LBB2_24-.Ltmp15, $3  }
0x11a: {  	_ =	sdelay $0x1  }
0x11b: {  	s0 =	simm.s32 $0x6  }
0x11c: {  	s3 =	simm.s32 $0x0;
	[sflag:s0] =	ssyncpa.u1 $0x1  }
0x11d: {  	s0 =	simm.s32 $0xC0  }
0x11e: {  	v0 =	vld.msk [tilespmem:s0+$0x0], $0x1;
	_ =	sdelay $0x4  }
0x11f: {  	(v2sf) =	vpush v0, $0x0;
	_ =	sdelay $0xe  }
0x120: {  	s2 =	sadd.s32 $0xFFFFFFFF, s2;
	s4 =	spop (v2sf)  }
0x121: {  	p1 =	sne.s32 s2, $0x0;
	p0 =	sgt.u32 s4, $0x63FFFFF  }
.Ltmp16:
0x122: {  	s5 =	sshrl.u32 @!p0 s4, $0x3;
	(pc) =	sbr.rel @!p1 .LBB2_23-.Ltmp16, $4  }
0x123: {  	s0 =	simm.s32 $0xE0;
	s4 =	sand.u32 @!p0 $0x7, s4;
	s5 =	sadd.s32 @!p0 s1, s5  }
0x124: {  	[hbm4b:s5+s4] =	stream.linear.scatter @!p0 [tilespmem:s0], [sflag:$0x5], $0x1, $0x38;
	[tilespmem:$0x11A60] =	vst v63  }
0x125: {  	s5 =	simm.s32 $0x0  }
0x126: {  	s4 =	simm.s32 $0xC1;
	s5 =	simm.s32 @!p0 $0x4  }
.LBB2_22:
0x127: {  	v0 =	vld.msk [tilespmem:s4+$0x0], $0x1;
	s2 =	sadd.s32 $0xFFFFFFFF, s2;
	s3 =	sadd.s32 s3, s5  }
0x128: {  	p0 =	sne.s32 s2, $0x0;
	_ =	sdelay $0x3  }
0x129: {  	(v2sf) =	vpush v0, $0x0;
	_ =	sdelay $0xe  }
.Ltmp17:
0x12a: {  	s6 =	spop (v2sf);
	(pc) =	sbr.rel @p0 .LBB2_22-.Ltmp17, $4  }
0x12b: {  	s5 =	simm.s32 $0x0;
	p1 =	sgt.u32 s6, $0x63FFFFF  }
0x12c: {  	s0 =	sadd.s32 $0x1, s0;
	s5 =	simm.s32 @!p1 $0x4;
	s7 =	sshrl.u32 @!p1 s6, $0x3  }
0x12d: {  	s4 =	sadd.s32 $0x1, s4;
	s6 =	sand.u32 @!p1 $0x7, s6;
	s7 =	sadd.s32 @!p1 s1, s7  }
0x12e: {  	[hbm4b:s7+s6] =	stream.linear.scatter @!p1 [tilespmem:s0], [sflag:$0x5], $0x1, $0x38;
	[tilespmem:$0x11A60] =	vst v63  }
.LBB2_23:
0x12f: {  	s0 =	sadd.s32 s3, s5  }
0x130: {  	s3 =	sshrl.u32 s0, $0x2  }
.LBB2_24:
0x131: {  	s0 =	simm.s32 $0x5  }
0x132: {  	_ =	swait.ge [sflag:s0], s3  }
0x133: {  	s1 =	ssub.s32 $0x0, s3;
	[sflag:s0] =	ssyncset.done $0x0  }
0x134: {  	[sflag:s0] =	ssyncadd.s32 s1  }
0x135: {  	[sflag:s0] =	ssyncpa.u1 $0x1  }
0x136: {  	s29 =	simm.s32 $0x1;
	_ =	sfence  }
0x137: {  	s30 =	simm.s32 $0x2;
	[sflag:s29] =	ssyncpa.u1 $0x1  }
0x138: {  	[sflag:s30] =	ssyncpa.u1 $0x1  }
0x139: {  	_ =	strace $0x9000004A  }
0x13a: {  	[bflag:$0x2] =	sbarrier.arrive $0xFFFF  }
0x13b: {  	s31 =	rddreg [dreg:$0x3]  }
0x13c: {  	s0 =	sadd.s32 $0x100000, s31  }
0x13d: {  	[sflag:s0] =	ssyncadd.tile.s32 $0x1;
	_ =	shalt  }
.Lfunc_end2:
_tile_overlayer_lowered:
.L_overlay_start_2:
0x13e: {  	(tag) =	ssettag $0x2  }
0x13f: {  	s0 =	rddreg [dreg:$0x0];
	s2 =	stileid.u32  }
0x140: {  	s1 =	rddreg [dreg:$0x1];
	p0 =	sne.s32 s2, $0x0  }
0x141: {  	s3 =	rddreg [dreg:$0x2];
	[bflag:$0x3] =	sbarrier.arrive $0xFFFF;
	s2 =	simm.s32 @!p0 $0x1C01  }
0x142: {  	[timem:s3], [sflag:s2] =	dma.local @!p0 [hbm:s0], s1  }
0x143: {  	s0 =	simm.s32 @!p0 $0x1  }
0x144: {  	_ =	swait.ge @!p0 [sflag:s0], s1  }
0x145: {  	s1 =	ssub.s32 @!p0 $0x0, s1;
	[sflag:s0] =	ssyncset.done @!p0 $0x0  }
0x146: {  	[sflag:s0] =	ssyncadd.s32 @!p0 s1  }
0x147: {  	[bflag:$0x3] =	sbarrier.arrive $0xFFFF  }
0x148: {  	_ =	shalt  }

// kernel: scatter_offload_async_start
scs
__scs_entry_jumppad:
0x0: {  	(pc) =	sbr.rel $0x88, $3  }
0x1: {  	(tag) =	ssettag $0x0;
	lr =	simm.s32 $0x1  }
0x2: {  	[smem:$0x3F9E] =	sst lr;
	_ =	strace $0xD0000000  }
0x3: {  	_ = 	snop  }
0x4: {  	_ = 	snop  }
0x5: {  	_ = 	snop  }
0x6: {  	_ = 	snop  }
0x7: {  	_ = 	snop  }
__scs_overlays_trampoline_lowered:
0x8: {  	[smem:$0x3FAD] =	sst s0  }
0x9: {  	[smem:$0x3FAE] =	sst s1  }
0xa: {  	[smem:$0x3FAF] =	sst s2  }
0xb: {  	[smem:$0x3FB0] =	sst s3  }
0xc: {  	[smem:$0x3FB1] =	sst s4  }
0xd: {  	[smem:$0x3FB2] =	sst s5  }
0xe: {  	[smem:$0x3FB3] =	sst s6  }
0xf: {  	[smem:$0x3FB4] =	sst s7  }
0x10: {  	[smem:$0x3FB5] =	sst s8  }
0x11: {  	[smem:$0x3FB6] =	sst s9;
	s0 =	simm.s32 @!p0 $0x0  }
0x12: {  	s1 =	sld [smem:$0x3F9C];
	s0 =	simm.s32 @p0 $0x1  }
0x13: {  	[smem:$0x3FB7] =	sst s0;
	s0 =	simm.s32 @!p1 $0x0  }
0x14: {  	s2 =	sld [smem:$0x3F9B];
	s0 =	simm.s32 @p1 $0x1  }
0x15: {  	[smem:$0x3FB8] =	sst s0;
	s0 =	simm.s32 @!p2 $0x0  }
0x16: {  	s3 =	sld [smem:$0x3FDB];
	s0 =	simm.s32 @p2 $0x1  }
0x17: {  	s4 =	simm.s32 $0x1BF5;
	[smem:$0x3FBA] =	sst s0  }
0x18: {  	s0 =	sld [smem:$0x3F9D];
	_ =	swait.ge [sflag:s4], $0x0  }
0x19: {  	s7 =	sld [smem:$0x3F9E]  }
0x1a: {  	s8 =	sadd.s32 $0xFFFFE003, lr  }
0x1b: {  	s9 =	sadd.s32 $0xFFFFFEF7, lr;
	s5 =	simm.s32 $0xFFFFFFFF;
	p2 =	slt.u32 s8, $0xFFFFF086  }
0x1c: {  	p1 =	slt.u32 s9, $0xF7A;
	s5 =	simm.s32 @!p2 $0x0  }
0x1d: {  	s5 =	simm.s32 @p1 $0x1;
	p0 =	seq.s32 s7, s2  }
0x1e: {  	s7 =	smul.u32 @!p0 $0xF7A, s2;
	p2 =	seq.s32 @!p0 s5, $0x0  }
0x1f: {  	s9 =	smul.u32 $0xF7A, s1;
	s8 =	simm.s32 @!p0 $0x1BF5;
	p2 =	por !p2, p0  }
0x20: {  	[sflag:s8] =	ssyncset.s32 @!p0 $0xFFFFF086;
	s6 =	sadd.s32 @!p0 s3, s7;
	s7 =	simm.s32 @!p0 $0x108  }
0x21: {  	s3 =	sadd.s32 s3, s9;
	s6 =	sadd.s32 @!p0 $0x88, s6;
	s7 =	simm.s32 @p2 $0x1082  }
0x22: {  	[simem:s7], [sflag:s8] =	dma.local @!p0 [hbm:s6], $0xF7A  }
0x23: {  	s9 =	sor.u32 $0xD0000000, s2;
	s6 =	simm.s32 $0x108;
	_ =	swait.ge @!p0 [sflag:s8], $0x0  }
0x24: {  	s3 =	sadd.s32 $0x88, s3;
	s6 =	simm.s32 @!p1 $0x1082;
	[sflag:s4] =	ssyncset.s32 $0xFFFFF086  }
0x25: {  	[simem:s6], [sflag:s4] =	dma.local [hbm:s3], $0xF7A  }
0x26: {  	[smem:$0x3F9E] =	sst s1;
	(tag) =	ssettag s2;
	_ =	strace s9  }
0x27: {  	s1 =	sld [smem:$0x3FAE]  }
0x28: {  	s2 =	sld [smem:$0x3FAF]  }
0x29: {  	s4 =	sld [smem:$0x3FB1]  }
0x2a: {  	p0 =	seq.s32 s5, $0x0;
	s5 =	sld [smem:$0x3FB2]  }
0x2b: {  	s6 =	sld [smem:$0x3FB3]  }
0x2c: {  	s7 =	sld [smem:$0x3FB4]  }
0x2d: {  	s3 =	simm.s32 $0x108;
	s8 =	sld [smem:$0x3FB5]  }
0x2e: {  	s3 =	simm.s32 @!p0 $0x1082;
	s9 =	sld [smem:$0x3FB6]  }
0x2f: {  	lr =	sadd.s32 s0, s3;
	s0 =	sld [smem:$0x3FAD]  }
0x30: {  	s3 =	sld [smem:$0x3FB0]  }
0x31: {  	[smem:$0x3FB9] =	sst s10  }
0x32: {  	s10 =	sld [smem:$0x3FB7];
	_ =	sdelay $0x3  }
0x33: {  	p0 =	seq.s32 s10, $0x1;
	s10 =	sld [smem:$0x3FB9];
	_ =	sdelay $0x3  }
0x34: {  	[smem:$0x3FB9] =	sst s10  }
0x35: {  	s10 =	sld [smem:$0x3FB8];
	_ =	sdelay $0x3  }
0x36: {  	p1 =	seq.s32 s10, $0x1;
	s10 =	sld [smem:$0x3FB9];
	_ =	sdelay $0x3  }
0x37: {  	[smem:$0x3FB9] =	sst s10  }
0x38: {  	s10 =	sld [smem:$0x3FBA]  }
0x39: {  	_ = 	snop;
	(pc) =	sbr.ind lr, $3  }
0x3a: {  	_ = 	snop  }
0x3b: {  	_ = 	snop  }
0x3c: {  	p2 =	seq.s32 s10, $0x1;
	s10 =	sld [smem:$0x3FB9]  }
0x3d: {  	_ =	shalt  }
0x3e: {  	_ =	shalt  }
0x3f: {  	_ =	shalt  }
0x40: {  	_ =	shalt  }
0x41: {  	_ =	shalt  }
0x42: {  	_ =	shalt  }
0x43: {  	_ =	shalt  }
0x44: {  	_ =	shalt  }
0x45: {  	_ =	shalt  }
0x46: {  	_ =	shalt  }
0x47: {  	_ =	shalt  }
0x48: {  	_ =	shalt  }
0x49: {  	_ =	shalt  }
0x4a: {  	_ =	shalt  }
0x4b: {  	_ =	shalt  }
0x4c: {  	_ =	shalt  }
0x4d: {  	_ =	shalt  }
0x4e: {  	_ =	shalt  }
0x4f: {  	_ =	shalt  }
0x50: {  	_ =	shalt  }
0x51: {  	_ =	shalt  }
0x52: {  	_ =	shalt  }
0x53: {  	_ =	shalt  }
0x54: {  	_ =	shalt  }
0x55: {  	_ =	shalt  }
0x56: {  	_ =	shalt  }
0x57: {  	_ =	shalt  }
0x58: {  	_ =	shalt  }
0x59: {  	_ =	shalt  }
0x5a: {  	_ =	shalt  }
0x5b: {  	_ =	shalt  }
0x5c: {  	_ =	shalt  }
0x5d: {  	_ =	shalt  }
0x5e: {  	_ =	shalt  }
0x5f: {  	_ =	shalt  }
0x60: {  	_ =	shalt  }
0x61: {  	_ =	shalt  }
0x62: {  	_ =	shalt  }
0x63: {  	_ =	shalt  }
0x64: {  	_ =	shalt  }
0x65: {  	_ =	shalt  }
0x66: {  	_ =	shalt  }
0x67: {  	_ =	shalt  }
0x68: {  	_ =	shalt  }
0x69: {  	_ =	shalt  }
0x6a: {  	_ =	shalt  }
0x6b: {  	_ =	shalt  }
0x6c: {  	_ =	shalt  }
0x6d: {  	_ =	shalt  }
0x6e: {  	_ =	shalt  }
0x6f: {  	_ =	shalt  }
0x70: {  	_ =	shalt  }
0x71: {  	_ =	shalt  }
0x72: {  	_ =	shalt  }
0x73: {  	_ =	shalt  }
0x74: {  	_ =	shalt  }
0x75: {  	_ =	shalt  }
0x76: {  	_ =	shalt  }
0x77: {  	_ =	shalt  }
0x78: {  	_ =	shalt  }
0x79: {  	_ =	shalt  }
0x7a: {  	_ =	shalt  }
0x7b: {  	_ =	shalt  }
0x7c: {  	_ =	shalt  }
0x7d: {  	_ =	shalt  }
0x7e: {  	_ =	shalt  }
0x7f: {  	_ =	shalt  }
0x80: {  	_ =	shalt  }
0x81: {  	_ =	shalt  }
0x82: {  	_ =	shalt  }
0x83: {  	_ =	shalt  }
0x84: {  	_ =	shalt  }
0x85: {  	_ =	shalt  }
0x86: {  	_ =	shalt  }
0x87: {  	_ =	shalt  }
.Lfunc_end0:
.L_simem_size_0:
called_computation_lowered:
.L_overlay_start_0:
0x88: {  	s0 =	sld [smem:$0x3FD9]  }
0x89: {  	s1 =	sld [smem:$0x3FFE];
	_ =	sdelay $0x3  }
0x8a: {  	s0 =	sadd.s32 s1, s0  }
0x8b: {  	[smem:$0x3FC5] =	sst s0  }
0x8c: {  	_ = 	snop  }
0x8d: {  	s0 =	sld [smem:$0x3FD0];
	_ =	sdelay $0x2  }
0x8e: {  	s13 =	simm.s32 $0xA;
	s2 =	simm.s32 $0x10  }
0x8f: {  	[smem:s2], [sflag:s13] =	dma.local [hbm:s0], $0x1  }
0x90: {  	_ =	swait.eq [sflag:s13], $0x1  }
0x91: {  	[sflag:s13] =	ssyncset.done $0x0  }
0x92: {  	[sflag:s13] =	ssyncadd.s32 $0xFFFFFFFF  }
0x93: {  	s14 =	sld [smem:$0x11];
	(tm) =	ssettm $0x1  }
0x94: {  	s15 =	sld [smem:$0x3FFB];
	_ =	sdelay $0x3  }
0x95: {  	_ =	strace s15  }
0x96: {  	s1 =	sld [smem:$0x3FFC];
	_ =	sdelay $0x3  }
0x97: {  	_ =	strace s1  }
0x98: {  	s1 =	sld [smem:$0x3FFD];
	_ =	sdelay $0x3  }
0x99: {  	_ =	strace s1  }
0x9a: {  	_ =	strace $0x8FFFFFFF  }
0x9b: {  	s16 =	sld [smem:$0x3FDB];
	_ =	sdelay $0x1  }
0x9c: {  	s17 =	simm.s32 $_scs_section_size  }
0x9d: {  	s3 =	simm.s32 $_size__tile_overlayer_lowered;
	s4 =	simm.s32 $_tile_overlayer_lowered  }
0x9e: {  	s20 =	simm.s32 $0x1BFF;
	s19 =	sshll.u32 s4, $0x1;
	s1 =	sadd.s32 s17, s16  }
0x9f: {  	s5 =	simm.s32 $0x0;
	s18 =	sshll.u32 s3, $0x1;
	s3 =	sadd.s32 s19, s1  }
0xa0: {  	[timem:s5], [sflag:s20] =	dma.local [hbm:s3], s18  }
0xa1: {  	_ =	swait.ge [sflag:s20], s18  }
0xa2: {  	s2 =	ssub.s32 $0x0, s18;
	[sflag:s20] =	ssyncset.done $0x0  }
0xa3: {  	[sflag:s20] =	ssyncadd.s32 s2;
	_ =	sdelay $0x1  }
0xa4: {  	s21 =	simm.s32 $0x1B8B  }
0xa5: {  	_ =	swait.ge [sflag:s21], $0x1  }
0xa6: {  	[sflag:s21] =	ssyncset.done $0x0  }
0xa7: {  	s23 =	simm.s32 $0x1B8E;
	s22 =	sld [smem:$0x3FFE];
	[sflag:s21] =	ssyncadd.s32 $0xFFFFFFFF  }
0xa8: {  	s24 =	simm.s32 $execute0_lowered;
	[smem:$0x3FD2] =	sst s23  }
0xa9: {  	s3 =	sshll.u32 s24, $0x1;
	_ =	strace $0x80000046;
	[dreg:$0x1] =	wrdreg $0xFFFFFFFF  }
0xaa: {  	s25 =	simm.s32 $_size_execute0_lowered;
	s1 =	sadd.s32 s1, s3;
	[dreg:$0x0] =	wrdreg $0x0  }
0xab: {  	s3 =	sshll.u32 s25, $0x1;
	[dreg:$0x2] =	wrdreg s1  }
0xac: {  	[dreg:$0x3] =	wrdreg s3  }
0xad: {  	[dreg:$0x4] =	wrdreg $0xC0  }
0xae: {  	_ =	task [dreg:s5], $0x5FFFF  }
0xaf: {  	[dreg:$0x1] =	wrdreg $0xFFFFFFFF  }
0xb0: {  	[dreg:$0x0] =	wrdreg $0x60  }
0xb1: {  	[dreg:$0x2] =	wrdreg s22  }
0xb2: {  	[dreg:$0x3] =	wrdreg s14  }
0xb3: {  	[dreg:$0x4] =	wrdreg $0x9  }
0xb4: {  	_ =	task.clear_ibuf [dreg:s5], $0x5FFFF;
	_ =	strace $0x90000046  }
0xb5: {  	s26 =	simm.s32 $0x9;
	_ =	strace $0x80000048  }
0xb6: {  	_ =	swait.ge [sflag:s26], $0x1  }
0xb7: {  	[sflag:s26] =	ssyncadd.s32 $0xFFFFFFFF  }
0xb8: {  	_ =	strace $0x90000048  }
0xb9: {  	_ =	sfence  }
0xba: {  	s28 =	sld [smem:$0x0];
	_ =	sdelay $0x1  }
0xbb: {  	s29 =	srdreg.scid  }
0xbc: {  	s30 =	sshll.u32 s29, $0xD;
	s31 =	sshrl.u32 s29, $0x2  }
0xbd: {  	s2 =	sand.u32 $0x4000, s30;
	s1 =	sand.u32 $0x1, s29;
	s0 =	sadd.s32 s31, s28  }
0xbe: {  	s1 =	sor.u32 s2, s1;
	s0 =	sshll.u32 s0, $0x11  }
0xbf: {  	s0 =	sor.u32 s0, s1  }
0xc0: {  	s0 =	sadd.s32 $0x8F2B, s0  }
0xc1: {  	[sflag:s0] =	ssyncadd.remote.s32 $0x1  }
0xc2: {  	_ =	sfence.sel $0xFFFF  }
0xc3: {  	[dreg:$0x0] =	wrdreg $0xFFFFFFFF;
	(pc) =	sbr.abs _section_cstart, $3  }
0xc4: {  	[dreg:$0x1] =	wrdreg $0xFFFFFFFF  }
0xc5: {  	_ =	task.clear_ibuf [dreg:s5], $0x2FFFF;
	_ =	strace $0x9FFFFFFF  }
0xc6: {  	(tm) =	ssettm $0x7FFFFFFF  }
0xc7: {  	_ =	shalt  }
tec
execute0_lowered:
.L_overlay_start_1:
0x0: {  	(tag) =	ssettag $0x1  }
0x1: {  	s11 =	rddreg [dreg:$0x0]  }
0x2: {  	s4 =	rddreg [dreg:$0x1];
	_ =	strace $0x80000047;
	s15 =	stileid.u32  }
0x3: {  	s0 =	simm.s32 $0x1;
	s1 =	smin.u32 s15, $0x8;
	s5 =	sshll.u32 s15, $0x1  }
0x4: {  	[sflag:s0] =	ssyncpa.u1 $0x0;
	s1 =	sadd.s32 s1, s5  }
0x5: {  	v1 =	vimm.s32 $0xFFFFFFFF;
	p0 =	slt.u32 s15, $0x8;
	s6 =	smul.u32 $0x1F40, s1;
	s1 =	simm.s32 $0x5DC0  }
0x6: {  	[tilespmem:$0x10] =	vst v1;
	s1 =	simm.s32 @!p0 $0x3E80  }
0x7: {  	v0 =	vimm.f32 $0.0e+00;
	[tilespmem:$0x20] =	vst v1;
	s1 =	sadd.s32 s1, s6  }
0x8: {  	[tilespmem:$0x30] =	vst v0;
	s7 =	smin.u32 s1, $0x4E200  }
0x9: {  	s3 =	simm.s32 $0x2;
	[tilespmem:$0x40] =	vst v0;
	s1 =	ssub.s32 s7, s6  }
0xa: {  	s8 =	simm.s32 $0x7;
	s9 =	simm.s32 $0x8;
	[tilespmem:$0x50] =	vst v0;
	p0 =	sgt.s32 s1, $0x0  }
0xb: {  	s31 =	simm.s32 $0x9;
	s16 =	simm.s32 $0x0;
	[tilespmem:$0x60] =	vst v1;
	s1 =	simm.s32 @!p0 $0x0  }
0xc: {  	s17 =	simm.s32 $0xF0;
	s18 =	simm.s32 $0xFFFFFFFF;
	[tilespmem:$0x70] =	vst v1;
	s2 =	smulhi.u32 $0x10624DD3, s1  }
0xd: {  	s19 =	simm.s32 $0xFFFFC280;
	s20 =	simm.s32 $0xFFFFFFFE;
	s21 =	simm.s32 $0xF;
	[tilespmem:$0x80] =	vst v1  }
0xe: {  	s22 =	simm.s32 $0x30;
	s25 =	simm.s32 $0x0;
	v1 =	vimm.s32 $0x0;
	[tilespmem:$0xB0] =	vst v0;
	s2 =	sshrl.u32 s2, $0x9  }
0xf: {  	s24 =	simm.s32 $0x0;
	s15 =	sshllo.u32 s15, $0x1;
	[tilespmem:$0x90] =	vst v1;
	s10 =	smul.u32 $0x1F40, s2  }
.Ltmp0:
0x10: {  	s13 =	sor.u32 $0x80, s5;
	[tilespmem:$0xA0] =	vst v1;
	[sflag:s3] =	ssyncpa.u1 $0x0;
	(pc) =	sbr.rel .LBB2_1-.Ltmp0, $4  }
0x11: {  	s14 =	sor.u32 $0x81, s5;
	[sflag:s8] =	ssyncpa.u1 $0x0;
	p0 =	sne.s32 s1, s10  }
0x12: {  	[sflag:s9] =	ssyncpa.u1 $0x0;
	s23 =	smov.u32 s6;
	s0 =	simm.s32 @!p0 $0x0  }
0x13: {  	vm0 =	vmmov $0xffff;
	v2 =	vlaneseq.u32;
	[sflag:s31] =	ssyncpa.u1 $0x0;
	s1 =	sadd.s32 $0x1E000, s11;
	s10 =	sadd.s32 s0, s2  }
0x14: {  	vm1 =	vmxor vm1, vm1;
	vm2 =	vmmov $0x1;
	vm3 =	vcmask $0x3F3C;
	p0 =	por $0x0, $0x0;
	s11 =	sadd.s32 $0x1, s10;
	s12 =	sadd.s32 $0x2, s10  }
.LBB2_9:
0x15: {  	p1 =	slt.u32 s24, $0x3  }
0x16: {  	s0 =	simm.s32 @!p1 $0x2  }
0x17: {  	_ =	swait.ge @!p1 [sflag:s0], $0x1F40  }
0x18: {  	[sflag:s0] =	ssyncset.done @!p1 $0x0  }
0x19: {  	[sflag:s0] =	ssyncadd.s32 @!p1 $0xFFFFE0C0;
	s0 =	simm.s32 @!p1 $0x9  }
0x1a: {  	_ =	swait.ge @!p1 [sflag:s0], $0x10  }
0x1b: {  	[sflag:s0] =	ssyncset.done @!p1 $0x0  }
0x1c: {  	[sflag:s0] =	ssyncadd.s32 @!p1 $0xFFFFFFF0;
	p1 =	sne.s32 s24, s12  }
.Ltmp1:
0x1d: {  	s2 =	sadd.s32 $0x1F40, s23;
	(pc) =	sbr.rel @!p1 .LBB2_10-.Ltmp1, $4  }
0x1e: {  	s3 =	smov.u32 s6;
	s31 =	sadd.s32 $0x1, s24;
	s17 =	sadd.s32 $0x1F40, s17  }
0x1f: {  	s18 =	sadd.s32 $0x1, s18;
	s25 =	smov.u32 s23;
	p2 =	slt.s32 s2, s7  }
0x20: {  	p0 =	por !p0, !p0;
	s19 =	sadd.s32 $0x1F40, s19;
	s3 =	smov.u32 @p2 s2  }
0x21: {  	s20 =	sadd.s32 $0x1, s20;
	s23 =	smov.u32 s3;
	s24 =	smov.u32 s31  }
.LBB2_1:
0x22: {  	p1 =	sge.u32 s24, s10  }
0x23: {  	s0 =	smulhi.u32 @!p1 $0xAAAAAAAB, s24;
	_ =	sdelay $0x1  }
0x24: {  	s0 =	sshrl.u32 @!p1 s0, $0x1  }
0x25: {  	s0 =	smul.u32 @!p1 $0x3, s0;
	_ =	sdelay $0x1  }
0x26: {  	s0 =	ssub.s32 @!p1 s24, s0  }
0x27: {  	s0 =	smul.u32 @!p1 $0x7D00, s0;
	_ =	sdelay $0x1  }
0x28: {  	s2 =	sshrl.u32 @!p1 s23, $0x3;
	s0 =	sshrl.u32 @!p1 s0, $0x2  }
0x29: {  	s3 =	sand.u32 @!p1 $0x7, s23;
	s2 =	sadd.s32 @!p1 s4, s2;
	s0 =	sadd.s32 @!p1 $0x100, s0  }
0x2a: {  	[tilespmem:s0], [sflag:$0x7] =	stream.linear.gather @!p1 [hbm4b:s2+s3], $0x1F40, $0x38;
	[tilespmem:$0x11A60] =	vst v63  }
0x2b: {  	s0 =	sadd.s32 $0xFFFFFFFF, s24  }
0x2c: {  	p1 =	sge.u32 s0, s10  }
.Ltmp2:
0x2d: {  	_ = 	snop;
	(pc) =	sbr.rel @p1 .LBB2_5-.Ltmp2, $1  }
0x2e: {  	_ =	sdelay $0x3  }
0x2f: {  	s2 =	smulhi.u32 $0xAAAAAAAB, s0;
	_ =	sdelay $0x1  }
0x30: {  	s2 =	sshrl.u32 s2, $0x1  }
0x31: {  	s2 =	smul.u32 $0x3, s2;
	_ =	sdelay $0x1  }
0x32: {  	s2 =	ssub.s32 s0, s2  }
0x33: {  	s2 =	smul.u32 $0x7D00, s2  }
0x34: {  	_ =	swait.ge [sflag:s8], $0x1F40  }
0x35: {  	[sflag:s8] =	ssyncset.done $0x0;
	s2 =	sshrl.u32 s2, $0x2  }
0x36: {  	[sflag:s8] =	ssyncadd.s32 $0xFFFFE0C0;
	(ifvalue) =	ssetifvalue $0xFFFFFFFF;
	v3 =	vld.msk [tilespmem:s2+$0x100 ss:$0x1], $0xffff;
	_ =	sdelay $0x2  }
0x37: {  	s30 =	smulhi.u32 $0xAAAAAAAB, s18;
	p1 =	sne.s32 s24, $0x1  }
0x38: {  	v4 =	vimm.s32 @!p1 $0x0  }
0x39: {  	s2 =	sshrl.u32 s30, $0x1;
	v4 =	vperm.xlane @!p1 v3, v4  }
0x3a: {  	s3 =	sshll.u32 s24, $0x4;
	s2 =	smul.u32 $0xFFFE8900, s2;
	vm4 =	vlt.u32 v3, $0x2800  }
0x3b: {  	s3 =	sand.u32 $0x10, s3;
	v3 =	vnsel vm4, $0xFFFFFFFE, v3;
	vm4 =	vlt.u32 @!p1 v4, $0x2800  }
0x3c: {  	s2 =	sshra.s32 s2, $0x2;
	[tilespmem:s3+$0x60] =	vst v3;
	v3 =	vnsel @!p1 vm4, $0xFFFFFFFE, v4  }
0x3d: {  	s28 =	sadd.s32 s2, s17;
	[tilespmem:$0x80] =	vst @!p1 v3  }
0x3e: {  	v3 =	vld.msk [tilespmem:s28+$0x0 ss:$0x1], $0xffff;
	_ =	sdelay $0x4  }
0x3f: {  	(xrf1) =	vunique.msk.u32 $0xffff, v3;
	_ =	sdelay $0xd  }
0x40: {  	v4 =	vimm.s32 $0xFFFFFFFF;
	v5, _, _ =	vpop (xrf1)  }
0x41: {  	vm5 =	vne.s32 v3, v4;
	vm4 =	veq.s32 v5, v2  }
0x42: {  	vm6 =	vlt.u32 v3, $0x2800;
	vm4 =	vmand vm5, vm4  }
0x43: {  	vm4 =	vmand vm6, vm4  }
0x44: {  	v4 =	vnsel vm4, $0xFFFFFFFF, v3  }
0x45: {  	s31 =	sand.u32 $0x1, s0  }
0x46: {  	s0 =	simm.s32 $0x1F40;
	p1 =	seq.s32 s31, $0x1  }
0x47: {  	s0 =	simm.s32 @!p1 $0x0  }
0x48: {  	s26 =	sadd.s32 $0x7DF0, s0;
	(ifvalue) =	ssetifvalue $0xFFFFFFFF  }
0x49: {  	v3 =	vperm.xlane v3, v1;
	[tilespmem:s26], [sflag:$0x8] =	stream.indirect_vreg.gather [hbm4b:s1+s16], $0x1, v4, vm0, $0x4038;
	v4 =	vnsel vm6, $0xFFFFFFFE, v4;
	[tilespmem:$0x11A60] =	vst v63  }
0x4a: {  	s2 =	simm.s32 $0x0;
	s3 =	sadd.s32 $0xFFFFFFF0, s28;
	[tilespmem:s28+$0x0] =	vst v4  }
.LBB2_3:
0x4b: {  	v4 =	vld.msk [tilespmem:s3+$0x0 ss:$0x1], $0xffff;
	s2 =	sadd.s32 $0x10, s2;
	v5 =	vmov v3;
	s28 =	smov.u32 s3  }
0x4c: {  	p1 =	slt.u32 s2, $0x1F30;
	_ =	sdelay $0x4  }
0x4d: {  	v3 =	vperm.xlane v4, v1;
	(xrf1) =	vunique.msk.u32 $0xffff, v4;
	_ =	sdelay $0xd  }
0x4e: {  	v6, _, _ =	vpop (xrf1)  }
0x4f: {  	vm5 =	vne.s32 v4, v5;
	vm4 =	veq.s32 v6, v2  }
0x50: {  	vm6 =	vlt.u32 v4, $0x2800;
	vm4 =	vmand vm5, vm4  }
0x51: {  	vm4 =	vmand vm6, vm4  }
0x52: {  	v4 =	vnsel vm4, $0xFFFFFFFF, v4  }
.Ltmp3:
0x53: {  	v5 =	vnsel vm6, $0xFFFFFFFE, v4;
	(pc) =	sbr.rel @p1 .LBB2_3-.Ltmp3, $3  }
0x54: {  	_ =	sdelay $0x1  }
0x55: {  	s3 =	sadd.s32 $0xFFFFFFF0, s3;
	s26 =	sadd.s32 $0xFFFFFFF0, s26;
	(ifvalue) =	ssetifvalue $0xFFFFFFFF  }
0x56: {  	[tilespmem:s26], [sflag:$0x8] =	stream.indirect_vreg.gather [hbm4b:s1+s16], $0x1, v4, vm0, $0x4038;
	[tilespmem:s28+$0x0] =	vst v5  }
0x57: {  	s2 =	sshrl.u32 s25, $0x3;
	s3 =	rddreg [dreg:$0x0]  }
0x58: {  	s0 =	sadd.s32 $0x9D40, s0;
	s2 =	sadd.s32 s3, s2  }
0x59: {  	[tilespmem:s0], [sflag:$0x8] =	stream.linear.gather [hbm:s2], $0x1F40, $0x38;
	[tilespmem:$0x11A60] =	vst v63  }
.LBB2_5:
0x5a: {  	p1 =	slt.u32 s24, $0x2  }
0x5b: {  	p2 =	sge.u32 @!p1 s24, s12  }
0x5c: {  	p1 =	por p1, p2  }
.Ltmp4:
0x5d: {  	_ = 	snop;
	(pc) =	sbr.rel @p1 .LBB2_9-.Ltmp4, $1  }
0x5e: {  	_ =	sdelay $0x3  }
0x5f: {  	s0 =	sadd.s32 $0xFFFFFFFE, s24  }
0x60: {  	s2 =	smulhi.u32 $0xAAAAAAAB, s0;
	_ =	sdelay $0x1  }
0x61: {  	s2 =	sshrl.u32 s2, $0x1  }
0x62: {  	s2 =	smul.u32 $0x3, s2;
	_ =	sdelay $0x1  }
0x63: {  	s0 =	ssub.s32 s0, s2  }
0x64: {  	_ =	swait.ge [sflag:s9], $0x3E80;
	s0 =	smul.u32 $0x1F40, s0  }
0x65: {  	p1 =	sne.s32 s24, s11;
	[sflag:s9] =	ssyncset.done $0x0  }
0x66: {  	[sflag:s9] =	ssyncadd.s32 $0xFFFFC180;
	s2 =	sadd.s32 @!p1 $0x203F, s0  }
0x67: {  	[spmem:s14] =	stream.linear.scatter @!p1 [tilespmem:s2], [sflag:$0x1], $0x1, $0x38;
	[tilespmem:$0x11A60] =	vst v63  }
0x68: {  	s2 =	simm.s32 @!p1 $0x1  }
0x69: {  	_ =	swait.ge @!p1 [sflag:s2], $0x1  }
0x6a: {  	s3 =	sshll.u32 s24, $0x4;
	[sflag:s2] =	ssyncset.done @!p1 $0x0  }
0x6b: {  	s25 =	sand.u32 $0x10, s3;
	[sflag:s2] =	ssyncadd.s32 @!p1 $0xFFFFFFFF  }
0x6c: {  	s2 =	sxor.u32 $0x10, s25;
	v4 =	vld [tilespmem:s25+$0x10]  }
0x6d: {  	v5 =	vld [tilespmem:s2+$0x60]  }
0x6e: {  	v3 =	vld [tilespmem:$0x80];
	_ =	sdelay $0x2  }
0x6f: {  	(v2sf) =	vpush v4, $0x0  }
0x70: {  	(v2sf) =	vpush v5, $0x0  }
0x71: {  	(v2sf) =	vpush v3, $0x0;
	_ =	sdelay $0xc  }
0x72: {  	s3 =	spop (v2sf)  }
0x73: {  	s26 =	spop (v2sf)  }
0x74: {  	s28 =	spop (v2sf)  }
0x75: {  	p2 =	seq.s32 s3, s26;
	p3 =	seq.s32 s28, s3  }
0x76: {  	p3 =	por p2, p3  }
0x77: {  	s26 =	sand.u32 $0x1, s24;
	v4 =	vpsel p3, $0xFFFFFFFF, v4  }
0x78: {  	s29 =	smul.u32 $0x1F40, s26;
	[tilespmem:s25+$0x10] =	vst.msk $0x1, v4  }
0x79: {  	v4 =	vld [tilespmem:$0x30]  }
0x7a: {  	v5 =	vld [tilespmem:s29+$0x9D40]  }
0x7b: {  	v6 =	vld [tilespmem:s25+$0x40];
	_ =	sdelay $0x3  }
0x7c: {  	vm4 =	vmmov vm1;
	v5 =	vadd.f32 v5, v4  }
0x7d: {  	vm5 =	vmmov vm2;
	vm4 =	vmmov @p2 vm2;
	s3 =	sshll.u32 s26, $0x4;
	v4 =	vadd.f32 v6, v4  }
0x7e: {  	s26 =	sor.u32 $0x11A40, s3;
	vm5 =	vmmov @p3 vm1;
	[tilespmem:s29+$0x9D40] =	vst.msk vm4, v5  }
0x7f: {  	[tilespmem:s26+$0x0] =	vst.msk vm5, v4  }
0x80: {  	v4 =	vld [tilespmem:s29+$0x7DF0];
	_ =	sdelay $0x3  }
0x81: {  	v5 =	vimm.f32 $0.0e+00  }
0x82: {  	v4 =	vshift.insert v4, v5, s21  }
0x83: {  	s3 =	sor.u32 $0x40, s2  }
0x84: {  	[tilespmem:s3+$0x0] =	vst.msk $0x1, v4  }
0x85: {  	[tilespmem:s29+$0x7DFF] =	vst.msk $0x1, v5  }
0x86: {  	v4 =	vld [tilespmem:s0+$0x2030];
	_ =	sdelay $0x1  }
0x87: {  	s3 =	smulhi.u32 $0xAAAAAAAB, s20;
	s0 =	simm.s32 $0x1  }
0x88: {  	s0 =	simm.s32 @!p0 $0x0  }
0x89: {  	s3 =	sshrl.u32 s3, $0x1;
	s0 =	smul.u32 $0x7D00, s0  }
0x8a: {  	s3 =	smul.u32 $0xFFFE8900, s3;
	v4 =	vshift.insert v4, v1, s21  }
0x8b: {  	s0 =	sshrl.u32 s0, $0x2  }
0x8c: {  	s3 =	sshra.s32 s3, $0x2;
	s30 =	sadd.s32 $0x9D40, s0;
	[tilespmem:s2+$0x10] =	vst.msk $0x1, v4  }
0x8d: {  	s3 =	sadd.s32 s3, s19;
	v6 =	vld [tilespmem:s30+$0x0]  }
0x8e: {  	v7 =	vld [tilespmem:s3+$0x0];
	_ =	sdelay $0x3  }
0x8f: {  	v5 =	vadd.f32 v6, v5  }
0x90: {  	vm4 =	vne.s32 v7, $0xFFFFFFFF  }
0x91: {  	(xrf2) =	vadd.seg.scan.f32 vm4, v5;
	_ =	sdelay $0x3  }
0x92: {  	s31 =	sadd.s32 $0x5EC0, s0;
	v5 =	vperm.xlane v4, v1  }
0x93: {  	v6 =	vld [tilespmem:s31+$0x0]  }
0x94: {  	vm5 =	veq.s32 v7, v3;
	vm6 =	veq.s32 v7, v5  }
0x95: {  	vm7 =	vgt.u32 v7, $0xFFFFFFFD;
	vm6 =	vmor vm6, vm5  }
0x96: {  	vm6 =	vmor vm6, vm7  }
0x97: {  	v9 =	vld [tilespmem:$0xA0];
	v7 =	vsel vm6, $0xFFFFFFFF, v7  }
0x98: {  	v10 =	vld [tilespmem:$0x90];
	v6 =	vsel vm5, $0x0, v6;
	v8, _, _ =	vpop (xrf2)  }
0x99: {  	v6 =	vadd.f32 v8, v6  }
0x9a: {  	s0 =	sadd.s32 $0xDBC0, s0  }
0x9b: {  	vm4 =	vmand vm4, vm3;
	[tilespmem:s0+$0x0] =	vst v6;
	(ifvalue) =	ssetifvalue $0xFFFFFFFF  }
0x9c: {  	vm6 =	veq.s32 v9, $0x1;
	[hbm4b:s1+s16] =	stream.indirect_vreg.scatter [tilespmem:s0], [sflag:$0x2], $0x1, v7, vm0, $0x4038;
	v7 =	vsel vm4, $0x0, v8;
	[tilespmem:$0x11A60] =	vst v63  }
0x9d: {  	s2 =	simm.s32 $0x0;
	s3 =	sadd.s32 $0x10, s3;
	vm4 =	vmor vm6, vm5;
	v6 =	vsel vm5, v8, v10;
	v7 =	vshift.insert v7, v0, s21  }
.LBB2_7:
0x9e: {  	v8 =	vld [tilespmem:s3+$0x0];
	s30 =	sadd.s32 $0x10, s30  }
0x9f: {  	s31 =	sadd.s32 $0x10, s31;
	v9 =	vld [tilespmem:s30+$0x0]  }
0xa0: {  	s2 =	sadd.s32 $0x10, s2;
	v10 =	vld [tilespmem:s31+$0x0]  }
0xa1: {  	p2 =	slt.u32 s2, $0x1F30;
	_ =	sdelay $0x2  }
0xa2: {  	v7 =	vadd.f32 v9, v7  }
0xa3: {  	vm5 =	vne.s32 v8, $0xFFFFFFFF  }
0xa4: {  	vm6 =	vmand vm5, vm3;
	(xrf2) =	vadd.seg.scan.f32 vm5, v7;
	_ =	sdelay $0x5  }
0xa5: {  	vm7 =	veq.s32 v8, v5;
	vm5 =	veq.s32 v8, v3  }
0xa6: {  	vm8 =	vgt.u32 v8, $0xFFFFFFFD;
	vm4 =	vmor vm4, vm5;
	vm7 =	vmor vm7, vm5  }
0xa7: {  	vm7 =	vmor vm7, vm8  }
0xa8: {  	v8 =	vsel vm7, $0xFFFFFFFF, v8  }
.Ltmp5:
0xa9: {  	v7 =	vsel vm5, $0x0, v10;
	v9, _, _ =	vpop (xrf2);
	(pc) =	sbr.rel @p2 .LBB2_7-.Ltmp5, $4  }
0xaa: {  	v6 =	vsel vm5, v9, v6;
	v10 =	vadd.f32 v9, v7;
	v7 =	vsel vm6, $0x0, v9  }
0xab: {  	s0 =	sadd.s32 $0x10, s0;
	v7 =	vshift.insert v7, v0, s21  }
0xac: {  	s3 =	sadd.s32 $0x10, s3;
	[tilespmem:s0+$0x0] =	vst v10;
	(ifvalue) =	ssetifvalue $0xFFFFFFFF  }
0xad: {  	[hbm4b:s1+s16] =	stream.indirect_vreg.scatter [tilespmem:s0], [sflag:$0x2], $0x1, v8, vm0, $0x4038;
	[tilespmem:$0x11A60] =	vst v63  }
0xae: {  	v3 =	vld [tilespmem:s29+$0xFAF0];
	_ =	sdelay $0x4  }
0xaf: {  	v3 =	vshift.insert v3, v0, s21;
	_ =	sdelay $0x1  }
0xb0: {  	[tilespmem:s22+$0x0] =	vst.msk $0x1, v3  }
0xb1: {  	v3 =	vsel vm4, $0x1, v1;
	[tilespmem:$0x90] =	vst v6  }
0xb2: {  	s0 =	sadd.s32 @!p1 $0xFAFF, s29;
	[tilespmem:$0xA0] =	vst v3  }
0xb3: {  	[spmem:s15] =	stream.linear.scatter @!p1 [tilespmem:s0], [sflag:$0x1], $0x1, $0x38;
	[tilespmem:$0x11A60] =	vst v63  }
0xb4: {  	s0 =	simm.s32 @!p1 $0x1  }
0xb5: {  	v3 =	vmctz.xlane @!p1 vm4;
	_ =	swait.ge @!p1 [sflag:s0], $0x1  }
0xb6: {  	(v2sf) =	vpush @!p1 v4, $0x0  }
0xb7: {  	(v2sf) =	vpush @!p1 v3, $0x0;
	_ =	sdelay $0xd  }
0xb8: {  	s2 =	spop @!p1 (v2sf)  }
0xb9: {  	s3 =	spop @!p1 (v2sf)  }
0xba: {  	p2 =	sne.s32 @!p1 s28, s2;
	p3 =	slt.s32 @!p1 s3, $0xF  }
0xbb: {  	[sflag:s0] =	ssyncset.done @!p1 $0x0;
	p2 =	por p2, p1;
	p3 =	por !p3, p1  }
0xbc: {  	[sflag:s0] =	ssyncadd.s32 @!p1 $0xFFFFFFFF;
	v3 =	vimm.s32 @!p2 $0xFFFFFFFF;
	s3 =	simm.s32 @p3 $0xF  }
0xbd: {  	[tilespmem:$0x80] =	vst @!p2 v3;
	s2 =	sadd.s32 @!p1 $0x90, s3  }
0xbe: {  	[spmem:s5] =	stream.linear.scatter @!p1 [tilespmem:s2], [sflag:$0x1], $0x1, $0x38;
	[tilespmem:$0x11A60] =	vst v63  }
0xbf: {  	_ =	swait.ge @!p1 [sflag:s0], $0x1  }
0xc0: {  	[sflag:s0] =	ssyncset.done @!p1 $0x0  }
0xc1: {  	s2 =	simm.s32 @!p1 $0x80;
	[sflag:s0] =	ssyncadd.s32 @!p1 $0xFFFFFFFF  }
0xc2: {  	[spmem:s13] =	stream.linear.scatter @!p1 [tilespmem:s2], [sflag:$0x1], $0x1, $0x38;
	[tilespmem:$0x11A60] =	vst v63  }
0xc3: {  	_ =	swait.ge @!p1 [sflag:s0], $0x1  }
0xc4: {  	[sflag:s0] =	ssyncset.done @!p1 $0x0  }
0xc5: {  	[sflag:s0] =	ssyncadd.s32 @!p1 $0xFFFFFFFF;
	(ifvalue) =	ssetifvalue $0xFFFFFFFF;
	v3 =	vld [tilespmem:s25+$0x10];
	_ =	sdelay $0x3  }
.Ltmp6:
0xc6: {  	_ = 	snop;
	(pc) =	sbr.rel .LBB2_9-.Ltmp6, $3  }
0xc7: {  	_ =	sdelay $0x1  }
0xc8: {  	(ifvalue) =	ssetifvalue $0xFFFFFFFF  }
0xc9: {  	[hbm4b:s1+s16] =	stream.indirect_vreg.scatter [tilespmem:s26], [sflag:$0x9], $0x1, v3, vm0, $0x4038;
	[tilespmem:$0x11A60] =	vst v63  }
.LBB2_10:
0xca: {  	_ =	sfence.sel $0x180000  }
0xcb: {  	s0 =	simm.s32 $0x7;
	[bflag:$0x0] =	sbarrier.arrive $0xFFFF  }
0xcc: {  	s26 =	simm.s32 $0x8;
	[sflag:s0] =	ssyncpa.u1 $0x1  }
0xcd: {  	s28 =	simm.s32 $0x9;
	[sflag:s26] =	ssyncpa.u1 $0x1  }
0xce: {  	[sflag:s28] =	ssyncpa.u1 $0x1  }
0xcf: {  	_ =	sfence.stream.spmem  }
0xd0: {  	s29 =	simm.s32 $0x3;
	[bflag:$0x0] =	sbarrier.arrive $0xFFFF  }
0xd1: {  	s30 =	simm.s32 $0x4;
	[sflag:s29] =	ssyncpa.u1 $0x1  }
0xd2: {  	s31 =	simm.s32 $0x3C;
	s2 =	stileid.u32;
	[sflag:s30] =	ssyncpa.u1 $0x1  }
0xd3: {  	p0 =	sne.s32 s2, $0x0;
	[sflag:s31] =	ssyncpa.u1 $0x1  }
0xd4: {  	s0 =	simm.s32 @p0 $0x1;
	_ =	sfence @p0  }
0xd5: {  	[sflag:s0] =	ssyncpa.u1 @p0 $0x1;
	s0 =	simm.s32 @p0 $0x2  }
0xd6: {  	[sflag:s0] =	ssyncpa.u1 @p0 $0x1  }
0xd7: {  	_ =	strace @p0 $0x90000047  }
0xd8: {  	[bflag:$0x2] =	sbarrier.arrive @p0 $0xFFFF  }
0xd9: {  	_ =	shalt @p0  }
.LBB2_11:
0xda: {  	_ =	sfence.stream.spmem;
	s0 =	simm.s32 $0x5  }
0xdb: {  	s2 =	simm.s32 $0x80;
	s3 =	simm.s32 $0xC0;
	[sflag:s0] =	ssyncpa.u1 $0x0  }
0xdc: {  	[tilespmem:s3], [sflag:$0x5] =	stream.linear.gather [spmem:s2], $0x20, $0x38;
	[tilespmem:$0x11A60] =	vst v63  }
0xdd: {  	s2 =	simm.s32 $0x0;
	s3 =	simm.s32 $0xE0  }
0xde: {  	[tilespmem:s3], [sflag:$0x5] =	stream.linear.gather [spmem:s2], $0x20, $0x38;
	[tilespmem:$0x11A60] =	vst v63  }
.Ltmp7:
0xdf: {  	_ = 	snop;
	(pc) =	sbr.rel .LBB2_12-.Ltmp7, $4  }
0xe0: {  	_ =	swait.ge [sflag:s0], $0x40  }
0xe1: {  	[sflag:s0] =	ssyncset.done $0x0  }
0xe2: {  	s31 =	simm.s32 $0x6;
	[sflag:s0] =	ssyncadd.s32 $0xFFFFFFC0  }
0xe3: {  	s4 =	simm.s32 $0x0;
	[sflag:s31] =	ssyncpa.u1 $0x0  }
.LBB2_17:
0xe4: {  	p0 =	sgt.u32 s5, $0x27FF  }
0xe5: {  	s0 =	sshrl.u32 @!p0 s5, $0x3  }
0xe6: {  	s5 =	sand.u32 @!p0 $0x7, s5;
	s6 =	simm.s32 @!p0 $0xB0;
	s0 =	sadd.s32 @!p0 s1, s0  }
0xe7: {  	[tilespmem:s6], [sflag:$0x6] =	stream.linear.gather @!p0 [hbm4b:s0+s5], $0x1, $0x38;
	[tilespmem:$0x11A60] =	vst v63  }
0xe8: {  	s0 =	simm.s32 @!p0 $0x6  }
0xe9: {  	_ =	swait.ge @!p0 [sflag:s0], $0x1  }
0xea: {  	[sflag:s0] =	ssyncset.done @!p0 $0x0  }
0xeb: {  	[sflag:s0] =	ssyncadd.s32 @!p0 $0xFFFFFFFF  }
0xec: {  	v2 =	vmov @!p0 s4;
	v1 =	vld.msk @!p0 [tilespmem:$0xB0], $0x1;
	_ =	sdelay $0x3  }
0xed: {  	s0 =	simm.s32 @!p0 $0xE0  }
0xee: {  	[tilespmem:v2+s0+$0x0], v1 =	vst.idx.ret.add.f32.msk @!p0 $0x1, v1  }
0xef: {  	[tilespmem:s2+$0xC0] =	vst.msk $0x1, v0  }
0xf0: {  	v0 =	vld.msk [tilespmem:s4+$0xE0], $0x1;
	_ =	sdelay $0x4  }
0xf1: {  	[tilespmem:s2+$0xE0] =	vst.msk $0x1, v0;
	s2 =	sadd.s32 $0x1, s2  }
.LBB2_19:
0xf2: {  	s4 =	sadd.s32 $0x1, s4  }
0xf3: {  	p0 =	sne.s32 s4, $0x20  }
.Ltmp8:
0xf4: {  	_ = 	snop;
	(pc) =	sbr.rel @!p0 .LBB2_20-.Ltmp8, $1  }
0xf5: {  	_ =	sdelay $0x3  }
.LBB2_12:
0xf6: {  	v0 =	vld.msk [tilespmem:s4+$0xC0], $0x1;
	_ =	sdelay $0x4  }
0xf7: {  	(v2sf) =	vpush v0, $0x0;
	_ =	sdelay $0xe  }
0xf8: {  	s5 =	spop (v2sf)  }
0xf9: {  	p0 =	seq.s32 s5, $0xFFFFFFFF  }
.Ltmp9:
0xfa: {  	_ = 	snop;
	(pc) =	sbr.rel @p0 .LBB2_19-.Ltmp9, $1  }
0xfb: {  	_ =	sdelay $0x3  }
0xfc: {  	p0 =	slt.s32 s2, $0x1  }
.Ltmp10:
0xfd: {  	_ = 	snop;
	(pc) =	sbr.rel @p0 .LBB2_17-.Ltmp10, $1  }
0xfe: {  	_ =	sdelay $0x3  }
0xff: {  	s0 =	simm.s32 $0xC0;
	p0 =	por $0x0, $0x0  }
0x100: {  	v1 =	vld.msk @!p0 [tilespmem:s0+$0x0], $0x1;
	_ =	sdelay $0x4  }
0x101: {  	(v2sf) =	vpush @!p0 v1, $0x0;
	_ =	sdelay $0xd  }
0x102: {  	p2 =	sne.s32 s2, $0x1  }
.Ltmp11:
0x103: {  	s6 =	spop @!p0 (v2sf);
	(pc) =	sbr.rel @!p2 .LBB2_16-.Ltmp11, $4  }
0x104: {  	p1 =	seq.s32 @!p0 s5, s6  }
0x105: {  	s6 =	simm.s32 $0x0;
	p1 =	por !p1, p0  }
0x106: {  	s8 =	simm.s32 $0xFFFFFFFF;
	s6 =	simm.s32 @p1 $0xFFFFFFFF  }
0x107: {  	s7 =	simm.s32 $0x1;
	s6 =	smov.u32 @p0 s8  }
.LBB2_15:
0x108: {  	s8 =	smov.u32 s6;
	p0 =	sne.s32 s6, $0xFFFFFFFF  }
0x109: {  	s0 =	sadd.s32 $0x1, s0;
	s6 =	smov.u32 s7;
	s7 =	sadd.s32 $0x1, s7  }
0x10a: {  	p1 =	sne.s32 s2, s7;
	v1 =	vld.msk @!p0 [tilespmem:s0+$0x0], $0x1;
	_ =	sdelay $0x4  }
0x10b: {  	(v2sf) =	vpush @!p0 v1, $0x0;
	_ =	sdelay $0xe  }
.Ltmp12:
0x10c: {  	s9 =	spop @!p0 (v2sf);
	(pc) =	sbr.rel @p1 .LBB2_15-.Ltmp12, $4  }
0x10d: {  	p2 =	seq.s32 @!p0 s5, s9  }
0x10e: {  	p2 =	por !p2, p0  }
0x10f: {  	s6 =	simm.s32 @p2 $0xFFFFFFFF  }
0x110: {  	s6 =	smov.u32 @p0 s8  }
.LBB2_16:
0x111: {  	p0 =	sne.s32 s6, $0xFFFFFFFF  }
.Ltmp13:
0x112: {  	_ = 	snop;
	(pc) =	sbr.rel @!p0 .LBB2_17-.Ltmp13, $1  }
0x113: {  	_ =	sdelay $0x3  }
0x114: {  	v0 =	vld.msk [tilespmem:s4+$0xE0], $0x1;
	v1 =	vmov s6  }
.Ltmp14:
0x115: {  	_ = 	snop;
	(pc) =	sbr.rel .LBB2_19-.Ltmp14, $2  }
0x116: {  	_ =	sdelay $0x2  }
0x117: {  	[tilespmem:v1+s3+$0x0], v0 =	vst.idx.ret.add.f32.msk $0x1, v0  }
.LBB2_20:
0x118: {  	p0 =	slt.s32 s2, $0x1  }
.Ltmp15:
0x119: {  	_ = 	snop;
	(pc) =	sbr.rel @p0 .LBB2_24-.Ltmp15, $3  }
0x11a: {  	_ =	sdelay $0x1  }
0x11b: {  	s0 =	simm.s32 $0x6  }
0x11c: {  	s3 =	simm.s32 $0x0;
	[sflag:s0] =	ssyncpa.u1 $0x1  }
0x11d: {  	s0 =	simm.s32 $0xC0  }
0x11e: {  	v0 =	vld.msk [tilespmem:s0+$0x0], $0x1;
	_ =	sdelay $0x4  }
0x11f: {  	(v2sf) =	vpush v0, $0x0;
	_ =	sdelay $0xe  }
0x120: {  	s2 =	sadd.s32 $0xFFFFFFFF, s2;
	s4 =	spop (v2sf)  }
0x121: {  	p1 =	sne.s32 s2, $0x0;
	p0 =	sgt.u32 s4, $0x27FF  }
.Ltmp16:
0x122: {  	s5 =	sshrl.u32 @!p0 s4, $0x3;
	(pc) =	sbr.rel @!p1 .LBB2_23-.Ltmp16, $4  }
0x123: {  	s0 =	simm.s32 $0xE0;
	s4 =	sand.u32 @!p0 $0x7, s4;
	s5 =	sadd.s32 @!p0 s1, s5  }
0x124: {  	[hbm4b:s5+s4] =	stream.linear.scatter @!p0 [tilespmem:s0], [sflag:$0x5], $0x1, $0x38;
	[tilespmem:$0x11A60] =	vst v63  }
0x125: {  	s5 =	simm.s32 $0x0  }
0x126: {  	s4 =	simm.s32 $0xC1;
	s5 =	simm.s32 @!p0 $0x4  }
.LBB2_22:
0x127: {  	v0 =	vld.msk [tilespmem:s4+$0x0], $0x1;
	s2 =	sadd.s32 $0xFFFFFFFF, s2;
	s3 =	sadd.s32 s3, s5  }
0x128: {  	p0 =	sne.s32 s2, $0x0;
	_ =	sdelay $0x3  }
0x129: {  	(v2sf) =	vpush v0, $0x0;
	_ =	sdelay $0xe  }
.Ltmp17:
0x12a: {  	s6 =	spop (v2sf);
	(pc) =	sbr.rel @p0 .LBB2_22-.Ltmp17, $4  }
0x12b: {  	s5 =	simm.s32 $0x0;
	p1 =	sgt.u32 s6, $0x27FF  }
0x12c: {  	s0 =	sadd.s32 $0x1, s0;
	s5 =	simm.s32 @!p1 $0x4;
	s7 =	sshrl.u32 @!p1 s6, $0x3  }
0x12d: {  	s4 =	sadd.s32 $0x1, s4;
	s6 =	sand.u32 @!p1 $0x7, s6;
	s7 =	sadd.s32 @!p1 s1, s7  }
0x12e: {  	[hbm4b:s7+s6] =	stream.linear.scatter @!p1 [tilespmem:s0], [sflag:$0x5], $0x1, $0x38;
	[tilespmem:$0x11A60] =	vst v63  }
.LBB2_23:
0x12f: {  	s0 =	sadd.s32 s3, s5  }
0x130: {  	s3 =	sshrl.u32 s0, $0x2  }
.LBB2_24:
0x131: {  	s0 =	simm.s32 $0x5  }
0x132: {  	_ =	swait.ge [sflag:s0], s3  }
0x133: {  	s1 =	ssub.s32 $0x0, s3;
	[sflag:s0] =	ssyncset.done $0x0  }
0x134: {  	[sflag:s0] =	ssyncadd.s32 s1  }
0x135: {  	[sflag:s0] =	ssyncpa.u1 $0x1  }
0x136: {  	s29 =	simm.s32 $0x1;
	_ =	sfence  }
0x137: {  	s30 =	simm.s32 $0x2;
	[sflag:s29] =	ssyncpa.u1 $0x1  }
0x138: {  	[sflag:s30] =	ssyncpa.u1 $0x1  }
0x139: {  	_ =	strace $0x90000047  }
0x13a: {  	[bflag:$0x2] =	sbarrier.arrive $0xFFFF  }
0x13b: {  	s31 =	rddreg [dreg:$0x2]  }
0x13c: {  	s0 =	sadd.s32 $0x100000, s31  }
0x13d: {  	[sflag:s0] =	ssyncadd.tile.s32 $0x1;
	_ =	shalt  }
.Lfunc_end2:
_tile_overlayer_lowered:
.L_overlay_start_2:
0x13e: {  	(tag) =	ssettag $0x2  }
0x13f: {  	s0 =	rddreg [dreg:$0x0];
	s2 =	stileid.u32  }
0x140: {  	s1 =	rddreg [dreg:$0x1];
	p0 =	sne.s32 s2, $0x0  }
0x141: {  	s3 =	rddreg [dreg:$0x2];
	[bflag:$0x3] =	sbarrier.arrive $0xFFFF;
	s2 =	simm.s32 @!p0 $0x1C01  }
0x142: {  	[timem:s3], [sflag:s2] =	dma.local @!p0 [hbm:s0], s1  }
0x143: {  	s0 =	simm.s32 @!p0 $0x1  }
0x144: {  	_ =	swait.ge @!p0 [sflag:s0], s1  }
0x145: {  	s1 =	ssub.s32 @!p0 $0x0, s1;
	[sflag:s0] =	ssyncset.done @!p0 $0x0  }
0x146: {  	[sflag:s0] =	ssyncadd.s32 @!p0 s1  }
0x147: {  	[bflag:$0x3] =	sbarrier.arrive $0xFFFF  }
0x148: {  	_ =	shalt  }

</sc_bundles>
